<compile_context>
chip_gen: v7x
topology: tpu7x:2x2x1
jax: 0.10.2.dev20260603
libtpu: 0.0.44.dev20260713+nightly
codegen_flags: <defaults>
</compile_context>

<pallas_src>
import functools

import jax
import jax.numpy as jnp
from jax import lax
from jax.experimental import pallas as pl
from jax.experimental.pallas import tpu as pltpu
from jax.experimental.pallas import tpu_sc as plsc

B = 16384
D = 64
H = 128

try:
    _info = plsc.get_sparse_core_info()
    _NC, _NS = _info.num_cores, _info.num_subcores
except Exception:
    _NC, _NS = 2, 16
_NW = _NC * _NS
CHUNK = B // _NW


def _gather_one(idx_v, tbl_hbm, out_hbm, rows_v, sem, base):
    def fire(g, carry):
        iv = idx_v[pl.ds(g * 16, 16)]
        for k in range(16):
            j = g * 16 + k
            pltpu.async_copy(tbl_hbm.at[pl.ds(iv[k], 1)],
                             rows_v.at[pl.ds(j, 1)], sem)
        return carry

    lax.fori_loop(0, CHUNK // 16, fire, 0)

    def drain(j, carry):
        pltpu.make_async_copy(
            tbl_hbm.at[pl.ds(0, 1)], rows_v.at[pl.ds(j, 1)], sem).wait()
        return carry

    lax.fori_loop(0, CHUNK, drain, 0)
    pltpu.sync_copy(rows_v, out_hbm.at[pl.ds(base, CHUNK)])


def _gather_body(uidx_hbm, bidx_hbm, U_hbm, M_hbm, uout, mout,
                 uidx_v, bidx_v, rows_v, sem):
    wid = lax.axis_index("s") * _NC + lax.axis_index("c")
    base = wid * CHUNK
    pltpu.sync_copy(uidx_hbm.at[pl.ds(base, CHUNK)], uidx_v)
    pltpu.sync_copy(bidx_hbm.at[pl.ds(base, CHUNK)], bidx_v)
    _gather_one(uidx_v, U_hbm, uout, rows_v, sem, base)
    _gather_one(bidx_v, M_hbm, mout, rows_v, sem, base)


@functools.cache
def _make_gather():
    return pl.kernel(
        _gather_body,
        mesh=plsc.VectorSubcoreMesh(core_axis_name="c", subcore_axis_name="s"),
        out_type=[
            jax.ShapeDtypeStruct((B, D), jnp.float32),
            jax.ShapeDtypeStruct((B, D), jnp.float32),
        ],
        scratch_types=[
            pltpu.VMEM((CHUNK,), jnp.int32),
            pltpu.VMEM((CHUNK,), jnp.int32),
            pltpu.VMEM((CHUNK, D), jnp.float32),
            pltpu.SemaphoreType.DMA,
        ],
    )


BLK = 1024


def _mlp_body(u_ref, m_ref, w1a_ref, w1b_ref, b1_ref, w2_ref, b2_ref, o_ref):
    x = jnp.dot(u_ref[...], w1a_ref[...], preferred_element_type=jnp.float32)
    x = x + jnp.dot(m_ref[...], w1b_ref[...], preferred_element_type=jnp.float32)
    x = jnp.maximum(x + b1_ref[...], 0.0)
    y = jnp.sum(x * w2_ref[...], axis=1, keepdims=True) + b2_ref[0, 0]
    o_ref[...] = 1.0 / (1.0 + jnp.exp(-y))


def _mlp(u_emb, m_emb, w1a, w1b, b1, w2, b2):
    return pl.pallas_call(
        _mlp_body,
        grid=(B // BLK,),
        in_specs=[
            pl.BlockSpec((BLK, D), lambda i: (i, 0)),
            pl.BlockSpec((BLK, D), lambda i: (i, 0)),
            pl.BlockSpec((D, H), lambda i: (0, 0)),
            pl.BlockSpec((D, H), lambda i: (0, 0)),
            pl.BlockSpec((1, H), lambda i: (0, 0)),
            pl.BlockSpec((1, H), lambda i: (0, 0)),
            pl.BlockSpec(memory_space=pltpu.SMEM),
        ],
        out_specs=pl.BlockSpec((BLK, 1), lambda i: (i, 0)),
        out_shape=jax.ShapeDtypeStruct((B, 1), jnp.float32),
    )(u_emb, m_emb, w1a, w1b, b1, w2, b2)


def kernel(users, books, U, M, W1, b1, W2, b2):
    u_emb, m_emb = _make_gather()(users.astype(jnp.int32),
                                  books.astype(jnp.int32), U, M)
    w1a = W1[:, :D].T
    w1b = W1[:, D:].T
    return _mlp(u_emb, m_emb, w1a, w1b,
                b1.reshape(1, H), W2, b2.reshape(1, 1))

# --- scband reference (transcript-rebuilt; emitter-appended) ---
"""Pipeline reference for scband-recommendation-model-86088324481047 (READ-ONLY COPY).

The authoritative reference and input builder live on the scoring server;
editing this copy changes nothing except your own understanding.
"""

import jax, jax.numpy as jnp
import numpy as np

N_USERS = 1000000
N_BOOKS = 1000000
N_FACTORS = 64
BATCH = 16384
HIDDEN = 128


def setup_inputs(seed: int = 0) -> dict:
    key = jax.random.key(seed)
    k1, k2, k3, k4, k5, k6, k7, k8 = jax.random.split(key, 8)
    users = jax.random.randint(k1, (BATCH,), 0, N_USERS, dtype=jnp.int64 if jax.config.jax_enable_x64 else jnp.int32)
    books = jax.random.randint(k2, (BATCH,), 0, N_BOOKS, dtype=jnp.int64 if jax.config.jax_enable_x64 else jnp.int32)
    U = jax.random.normal(k3, (N_USERS, N_FACTORS), dtype=jnp.float32) * 0.02
    M = jax.random.normal(k4, (N_BOOKS, N_FACTORS), dtype=jnp.float32) * 0.02
    W1 = jax.random.normal(k5, (HIDDEN, N_FACTORS * 2), dtype=jnp.float32) * (1.0 / np.sqrt(N_FACTORS * 2))
    b1 = jnp.zeros((HIDDEN,), dtype=jnp.float32)
    W2 = jax.random.normal(k6, (1, HIDDEN), dtype=jnp.float32) * (1.0 / np.sqrt(HIDDEN))
    b2 = jnp.zeros((1,), dtype=jnp.float32)
    return {"users": users, "books": books, "U": U, "M": M, "W1": W1, "b1": b1, "W2": W2, "b2": b2}


def reference(users, books, U, M, W1, b1, W2, b2):
    # embedding lookups (gather)
    u_emb = jnp.take(U, users, axis=0)
    m_emb = jnp.take(M, books, axis=0)
    features = jnp.concatenate([u_emb, m_emb], axis=1)
    # dropout layers are identity in eval mode
    x = jnp.maximum(features @ W1.T + b1, 0.0)
    out = jax.nn.sigmoid(x @ W2.T + b2)
    return out

if __name__ == "__main__":
    import jax
    _d = setup_inputs()
    print(jax.jit(kernel)(*tuple(_d.values())))

</pallas_src>

<mosaic_0001>
#map = affine_map<(d0, d1) -> (0)>
#map1 = affine_map<(d0, d1) -> (0, 0)>
module attributes {stable_mosaic.version = 14 : i64} {
  func.func @_gather_body(%arg0: i32, %arg1: i32, %arg2: memref<16384xi32, #tpu.memory_space<hbm>>, %arg3: memref<16384xi32, #tpu.memory_space<hbm>>, %arg4: memref<1000000x64xf32, #tpu.memory_space<hbm>>, %arg5: memref<1000000x64xf32, #tpu.memory_space<hbm>>, %arg6: memref<16384x64xf32, #tpu.memory_space<hbm>>, %arg7: memref<16384x64xf32, #tpu.memory_space<hbm>>, %arg8: memref<512xi32, #tpu.memory_space<vmem>>, %arg9: memref<512xi32, #tpu.memory_space<vmem>>, %arg10: memref<512x64xf32, #tpu.memory_space<vmem>>, %arg11: memref<!tpu.dma_semaphore, #tpu.memory_space<semaphore_mem>>) attributes {dimension_semantics = [#tpu.dimension_semantics<core_parallel>, #tpu.dimension_semantics<subcore_parallel>], iteration_bounds = array<i64: 2, 16>, scalar_prefetch = 0 : i64, scratch_operands = 4 : i64, tpu.core_type = #tpu.core_type<sc_vector_subcore>, window_params = [{transform_indices = #map}, {transform_indices = #map}, {transform_indices = #map1}, {transform_indices = #map1}, {transform_indices = #map1}, {transform_indices = #map1}]} {
    %mul3A = arith.constant 2 : i32
    %mul3A_0 = arith.muli %arg1, %mul3A : i32
    %add3A = arith.addi %mul3A_0, %arg0 : i32
    %mul3A_1 = arith.constant 512 : i32
    %mul3A_2 = arith.muli %add3A, %mul3A_1 : i32
    "tpu.region"() ({
      %run_scoped3A = tpu.sem_alloc : memref<!tpu.dma_semaphore, #tpu.memory_space<semaphore_mem>>
      %dma_start3A = tpu.memref_slice %arg2[%mul3A_2] : memref<16384xi32, #tpu.memory_space<hbm>> -> memref<512xi32, #tpu.memory_space<hbm>>
      %dma_start3A_26 = tpu.memref_slice %arg2[%mul3A_2] : memref<16384xi32, #tpu.memory_space<hbm>> -> memref<512xi32, #tpu.memory_space<hbm>>
      tpu.enqueue_dma source(%dma_start3A_26 : memref<512xi32, #tpu.memory_space<hbm>>) target(%arg8 : memref<512xi32, #tpu.memory_space<vmem>>) target_semaphore(%run_scoped3A : memref<!tpu.dma_semaphore, #tpu.memory_space<semaphore_mem>>)
      %dma_wait3A = tpu.memref_slice %arg2[%mul3A_2] : memref<16384xi32, #tpu.memory_space<hbm>> -> memref<512xi32, #tpu.memory_space<hbm>>
      %dma_wait3A_27 = tpu.memref_slice %arg2[%mul3A_2] : memref<16384xi32, #tpu.memory_space<hbm>> -> memref<512xi32, #tpu.memory_space<hbm>>
      tpu.wait_dma2 semaphore(%run_scoped3A : memref<!tpu.dma_semaphore, #tpu.memory_space<semaphore_mem>>) src(%dma_wait3A_27 : memref<512xi32, #tpu.memory_space<hbm>>) dst(%arg8 : memref<512xi32, #tpu.memory_space<vmem>>)
      tpu.yield
    }) : () -> ()
    "tpu.region"() ({
      %run_scoped3A = tpu.sem_alloc : memref<!tpu.dma_semaphore, #tpu.memory_space<semaphore_mem>>
      %dma_start3A = tpu.memref_slice %arg3[%mul3A_2] : memref<16384xi32, #tpu.memory_space<hbm>> -> memref<512xi32, #tpu.memory_space<hbm>>
      %dma_start3A_26 = tpu.memref_slice %arg3[%mul3A_2] : memref<16384xi32, #tpu.memory_space<hbm>> -> memref<512xi32, #tpu.memory_space<hbm>>
      tpu.enqueue_dma source(%dma_start3A_26 : memref<512xi32, #tpu.memory_space<hbm>>) target(%arg9 : memref<512xi32, #tpu.memory_space<vmem>>) target_semaphore(%run_scoped3A : memref<!tpu.dma_semaphore, #tpu.memory_space<semaphore_mem>>)
      %dma_wait3A = tpu.memref_slice %arg3[%mul3A_2] : memref<16384xi32, #tpu.memory_space<hbm>> -> memref<512xi32, #tpu.memory_space<hbm>>
      %dma_wait3A_27 = tpu.memref_slice %arg3[%mul3A_2] : memref<16384xi32, #tpu.memory_space<hbm>> -> memref<512xi32, #tpu.memory_space<hbm>>
      tpu.wait_dma2 semaphore(%run_scoped3A : memref<!tpu.dma_semaphore, #tpu.memory_space<semaphore_mem>>) src(%dma_wait3A_27 : memref<512xi32, #tpu.memory_space<hbm>>) dst(%arg9 : memref<512xi32, #tpu.memory_space<vmem>>)
      tpu.yield
    }) : () -> ()
    %scan3A = arith.constant 0 : i32
    %scan3A_3 = arith.constant 0 : i32
    %scan3A_4 = arith.constant 32 : i32
    %scan3A_5 = arith.addi %scan3A_3, %scan3A_4 : i32
    %scan3A_6 = arith.constant 1 : i32
    scf.for %scan3A_26 = %scan3A_3 to %scan3A_5 step %scan3A_6  : i32 {
      %mul3A_27 = arith.constant 16 : i32
      %mul3A_28 = arith.muli %scan3A_26, %mul3A_27 : i32
      %get3A = arith.index_cast %mul3A_28 : i32 to index
      %get3A_29 = tpu.vector_load %arg8[%get3A] {strides = array<i32>} : memref<512xi32, #tpu.memory_space<vmem>>, vector<16xi32>,
      %get3A_30 = vector.shape_cast %get3A_29 : vector<16xi32> to vector<16xi32>
      %mul3A_31 = arith.constant 16 : i32
      %mul3A_32 = arith.muli %scan3A_26, %mul3A_31 : i32
      %add3A_33 = arith.constant 0 : i32
      %add3A_34 = arith.addi %mul3A_32, %add3A_33 : i32
      %slice3A = vector.extract_strided_slice %get3A_30 {offsets = [0], sizes = [1], strides = [1]} : vector<16xi32> to vector<1xi32>
      %squeeze3A = vector.extract %slice3A[0] : i32 from vector<1xi32>
      %dma_start3A = arith.constant 0 : i32
      %dma_start3A_35 = tpu.memref_slice %arg10[%add3A_34, %dma_start3A] : memref<512x64xf32, #tpu.memory_space<vmem>> -> memref<1x64xf32, #tpu.memory_space<vmem>>
      %dma_start3A_36 = arith.constant 0 : i32
      %dma_start3A_37 = tpu.memref_slice %arg4[%squeeze3A, %dma_start3A_36] : memref<1000000x64xf32, #tpu.memory_space<hbm>> -> memref<1x64xf32, #tpu.memory_space<hbm>>
      %dma_start3A_38 = arith.constant 0 : i32
      %dma_start3A_39 = tpu.memref_slice %arg10[%add3A_34, %dma_start3A_38] : memref<512x64xf32, #tpu.memory_space<vmem>> -> memref<1x64xf32, #tpu.memory_space<vmem>>
      %dma_start3A_40 = arith.constant 0 : i32
      %dma_start3A_41 = tpu.memref_slice %arg4[%squeeze3A, %dma_start3A_40] : memref<1000000x64xf32, #tpu.memory_space<hbm>> -> memref<1x64xf32, #tpu.memory_space<hbm>>
      tpu.enqueue_dma source(%dma_start3A_41 : memref<1x64xf32, #tpu.memory_space<hbm>>) target(%dma_start3A_39 : memref<1x64xf32, #tpu.memory_space<vmem>>) target_semaphore(%arg11 : memref<!tpu.dma_semaphore, #tpu.memory_space<semaphore_mem>>)
      %mul3A_42 = arith.constant 16 : i32
      %mul3A_43 = arith.muli %scan3A_26, %mul3A_42 : i32
      %add3A_44 = arith.constant 1 : i32
      %add3A_45 = arith.addi %mul3A_43, %add3A_44 : i32
      %slice3A_46 = vector.extract_strided_slice %get3A_30 {offsets = [1], sizes = [1], strides = [1]} : vector<16xi32> to vector<1xi32>
      %squeeze3A_47 = vector.extract %slice3A_46[0] : i32 from vector<1xi32>
      %dma_start3A_48 = arith.constant 0 : i32
      %dma_start3A_49 = tpu.memref_slice %arg10[%add3A_45, %dma_start3A_48] : memref<512x64xf32, #tpu.memory_space<vmem>> -> memref<1x64xf32, #tpu.memory_space<vmem>>
      %dma_start3A_50 = arith.constant 0 : i32
      %dma_start3A_51 = tpu.memref_slice %arg4[%squeeze3A_47, %dma_start3A_50] : memref<1000000x64xf32, #tpu.memory_space<hbm>> -> memref<1x64xf32, #tpu.memory_space<hbm>>
      %dma_start3A_52 = arith.constant 0 : i32
      %dma_start3A_53 = tpu.memref_slice %arg10[%add3A_45, %dma_start3A_52] : memref<512x64xf32, #tpu.memory_space<vmem>> -> memref<1x64xf32, #tpu.memory_space<vmem>>
      %dma_start3A_54 = arith.constant 0 : i32
      %dma_start3A_55 = tpu.memref_slice %arg4[%squeeze3A_47, %dma_start3A_54] : memref<1000000x64xf32, #tpu.memory_space<hbm>> -> memref<1x64xf32, #tpu.memory_space<hbm>>
      tpu.enqueue_dma source(%dma_start3A_55 : memref<1x64xf32, #tpu.memory_space<hbm>>) target(%dma_start3A_53 : memref<1x64xf32, #tpu.memory_space<vmem>>) target_semaphore(%arg11 : memref<!tpu.dma_semaphore, #tpu.memory_space<semaphore_mem>>)
      %mul3A_56 = arith.constant 16 : i32
      %mul3A_57 = arith.muli %scan3A_26, %mul3A_56 : i32
      %add3A_58 = arith.constant 2 : i32
      %add3A_59 = arith.addi %mul3A_57, %add3A_58 : i32
      %slice3A_60 = vector.extract_strided_slice %get3A_30 {offsets = [2], sizes = [1], strides = [1]} : vector<16xi32> to vector<1xi32>
      %squeeze3A_61 = vector.extract %slice3A_60[0] : i32 from vector<1xi32>
      %dma_start3A_62 = arith.constant 0 : i32
      %dma_start3A_63 = tpu.memref_slice %arg10[%add3A_59, %dma_start3A_62] : memref<512x64xf32, #tpu.memory_space<vmem>> -> memref<1x64xf32, #tpu.memory_space<vmem>>
      %dma_start3A_64 = arith.constant 0 : i32
      %dma_start3A_65 = tpu.memref_slice %arg4[%squeeze3A_61, %dma_start3A_64] : memref<1000000x64xf32, #tpu.memory_space<hbm>> -> memref<1x64xf32, #tpu.memory_space<hbm>>
      %dma_start3A_66 = arith.constant 0 : i32
      %dma_start3A_67 = tpu.memref_slice %arg10[%add3A_59, %dma_start3A_66] : memref<512x64xf32, #tpu.memory_space<vmem>> -> memref<1x64xf32, #tpu.memory_space<vmem>>
      %dma_start3A_68 = arith.constant 0 : i32
      %dma_start3A_69 = tpu.memref_slice %arg4[%squeeze3A_61, %dma_start3A_68] : memref<1000000x64xf32, #tpu.memory_space<hbm>> -> memref<1x64xf32, #tpu.memory_space<hbm>>
      tpu.enqueue_dma source(%dma_start3A_69 : memref<1x64xf32, #tpu.memory_space<hbm>>) target(%dma_start3A_67 : memref<1x64xf32, #tpu.memory_space<vmem>>) target_semaphore(%arg11 : memref<!tpu.dma_semaphore, #tpu.memory_space<semaphore_mem>>)
      %mul3A_70 = arith.constant 16 : i32
      %mul3A_71 = arith.muli %scan3A_26, %mul3A_70 : i32
      %add3A_72 = arith.constant 3 : i32
      %add3A_73 = arith.addi %mul3A_71, %add3A_72 : i32
      %slice3A_74 = vector.extract_strided_slice %get3A_30 {offsets = [3], sizes = [1], strides = [1]} : vector<16xi32> to vector<1xi32>
      %squeeze3A_75 = vector.extract %slice3A_74[0] : i32 from vector<1xi32>
      %dma_start3A_76 = arith.constant 0 : i32
      %dma_start3A_77 = tpu.memref_slice %arg10[%add3A_73, %dma_start3A_76] : memref<512x64xf32, #tpu.memory_space<vmem>> -> memref<1x64xf32, #tpu.memory_space<vmem>>
      %dma_start3A_78 = arith.constant 0 : i32
      %dma_start3A_79 = tpu.memref_slice %arg4[%squeeze3A_75, %dma_start3A_78] : memref<1000000x64xf32, #tpu.memory_space<hbm>> -> memref<1x64xf32, #tpu.memory_space<hbm>>
      %dma_start3A_80 = arith.constant 0 : i32
      %dma_start3A_81 = tpu.memref_slice %arg10[%add3A_73, %dma_start3A_80] : memref<512x64xf32, #tpu.memory_space<vmem>> -> memref<1x64xf32, #tpu.memory_space<vmem>>
      %dma_start3A_82 = arith.constant 0 : i32
      %dma_start3A_83 = tpu.memref_slice %arg4[%squeeze3A_75, %dma_start3A_82] : memref<1000000x64xf32, #tpu.memory_space<hbm>> -> memref<1x64xf32, #tpu.memory_space<hbm>>
      tpu.enqueue_dma source(%dma_start3A_83 : memref<1x64xf32, #tpu.memory_space<hbm>>) target(%dma_start3A_81 : memref<1x64xf32, #tpu.memory_space<vmem>>) target_semaphore(%arg11 : memref<!tpu.dma_semaphore, #tpu.memory_space<semaphore_mem>>)
      %mul3A_84 = arith.constant 16 : i32
      %mul3A_85 = arith.muli %scan3A_26, %mul3A_84 : i32
      %add3A_86 = arith.constant 4 : i32
      %add3A_87 = arith.addi %mul3A_85, %add3A_86 : i32
      %slice3A_88 = vector.extract_strided_slice %get3A_30 {offsets = [4], sizes = [1], strides = [1]} : vector<16xi32> to vector<1xi32>
      %squeeze3A_89 = vector.extract %slice3A_88[0] : i32 from vector<1xi32>
      %dma_start3A_90 = arith.constant 0 : i32
      %dma_start3A_91 = tpu.memref_slice %arg10[%add3A_87, %dma_start3A_90] : memref<512x64xf32, #tpu.memory_space<vmem>> -> memref<1x64xf32, #tpu.memory_space<vmem>>
      %dma_start3A_92 = arith.constant 0 : i32
      %dma_start3A_93 = tpu.memref_slice %arg4[%squeeze3A_89, %dma_start3A_92] : memref<1000000x64xf32, #tpu.memory_space<hbm>> -> memref<1x64xf32, #tpu.memory_space<hbm>>
      %dma_start3A_94 = arith.constant 0 : i32
      %dma_start3A_95 = tpu.memref_slice %arg10[%add3A_87, %dma_start3A_94] : memref<512x64xf32, #tpu.memory_space<vmem>> -> memref<1x64xf32, #tpu.memory_space<vmem>>
      %dma_start3A_96 = arith.constant 0 : i32
      %dma_start3A_97 = tpu.memref_slice %arg4[%squeeze3A_89, %dma_start3A_96] : memref<1000000x64xf32, #tpu.memory_space<hbm>> -> memref<1x64xf32, #tpu.memory_space<hbm>>
      tpu.enqueue_dma source(%dma_start3A_97 : memref<1x64xf32, #tpu.memory_space<hbm>>) target(%dma_start3A_95 : memref<1x64xf32, #tpu.memory_space<vmem>>) target_semaphore(%arg11 : memref<!tpu.dma_semaphore, #tpu.memory_space<semaphore_mem>>)
      %mul3A_98 = arith.constant 16 : i32
      %mul3A_99 = arith.muli %scan3A_26, %mul3A_98 : i32
      %add3A_100 = arith.constant 5 : i32
      %add3A_101 = arith.addi %mul3A_99, %add3A_100 : i32
      %slice3A_102 = vector.extract_strided_slice %get3A_30 {offsets = [5], sizes = [1], strides = [1]} : vector<16xi32> to vector<1xi32>
      %squeeze3A_103 = vector.extract %slice3A_102[0] : i32 from vector<1xi32>
      %dma_start3A_104 = arith.constant 0 : i32
      %dma_start3A_105 = tpu.memref_slice %arg10[%add3A_101, %dma_start3A_104] : memref<512x64xf32, #tpu.memory_space<vmem>> -> memref<1x64xf32, #tpu.memory_space<vmem>>
      %dma_start3A_106 = arith.constant 0 : i32
      %dma_start3A_107 = tpu.memref_slice %arg4[%squeeze3A_103, %dma_start3A_106] : memref<1000000x64xf32, #tpu.memory_space<hbm>> -> memref<1x64xf32, #tpu.memory_space<hbm>>
      %dma_start3A_108 = arith.constant 0 : i32
      %dma_start3A_109 = tpu.memref_slice %arg10[%add3A_101, %dma_start3A_108] : memref<512x64xf32, #tpu.memory_space<vmem>> -> memref<1x64xf32, #tpu.memory_space<vmem>>
      %dma_start3A_110 = arith.constant 0 : i32
      %dma_start3A_111 = tpu.memref_slice %arg4[%squeeze3A_103, %dma_start3A_110] : memref<1000000x64xf32, #tpu.memory_space<hbm>> -> memref<1x64xf32, #tpu.memory_space<hbm>>
      tpu.enqueue_dma source(%dma_start3A_111 : memref<1x64xf32, #tpu.memory_space<hbm>>) target(%dma_start3A_109 : memref<1x64xf32, #tpu.memory_space<vmem>>) target_semaphore(%arg11 : memref<!tpu.dma_semaphore, #tpu.memory_space<semaphore_mem>>)
      %mul3A_112 = arith.constant 16 : i32
      %mul3A_113 = arith.muli %scan3A_26, %mul3A_112 : i32
      %add3A_114 = arith.constant 6 : i32
      %add3A_115 = arith.addi %mul3A_113, %add3A_114 : i32
      %slice3A_116 = vector.extract_strided_slice %get3A_30 {offsets = [6], sizes = [1], strides = [1]} : vector<16xi32> to vector<1xi32>
      %squeeze3A_117 = vector.extract %slice3A_116[0] : i32 from vector<1xi32>
      %dma_start3A_118 = arith.constant 0 : i32
      %dma_start3A_119 = tpu.memref_slice %arg10[%add3A_115, %dma_start3A_118] : memref<512x64xf32, #tpu.memory_space<vmem>> -> memref<1x64xf32, #tpu.memory_space<vmem>>
      %dma_start3A_120 = arith.constant 0 : i32
      %dma_start3A_121 = tpu.memref_slice %arg4[%squeeze3A_117, %dma_start3A_120] : memref<1000000x64xf32, #tpu.memory_space<hbm>> -> memref<1x64xf32, #tpu.memory_space<hbm>>
      %dma_start3A_122 = arith.constant 0 : i32
      %dma_start3A_123 = tpu.memref_slice %arg10[%add3A_115, %dma_start3A_122] : memref<512x64xf32, #tpu.memory_space<vmem>> -> memref<1x64xf32, #tpu.memory_space<vmem>>
      %dma_start3A_124 = arith.constant 0 : i32
      %dma_start3A_125 = tpu.memref_slice %arg4[%squeeze3A_117, %dma_start3A_124] : memref<1000000x64xf32, #tpu.memory_space<hbm>> -> memref<1x64xf32, #tpu.memory_space<hbm>>
      tpu.enqueue_dma source(%dma_start3A_125 : memref<1x64xf32, #tpu.memory_space<hbm>>) target(%dma_start3A_123 : memref<1x64xf32, #tpu.memory_space<vmem>>) target_semaphore(%arg11 : memref<!tpu.dma_semaphore, #tpu.memory_space<semaphore_mem>>)
      %mul3A_126 = arith.constant 16 : i32
      %mul3A_127 = arith.muli %scan3A_26, %mul3A_126 : i32
      %add3A_128 = arith.constant 7 : i32
      %add3A_129 = arith.addi %mul3A_127, %add3A_128 : i32
      %slice3A_130 = vector.extract_strided_slice %get3A_30 {offsets = [7], sizes = [1], strides = [1]} : vector<16xi32> to vector<1xi32>
      %squeeze3A_131 = vector.extract %slice3A_130[0] : i32 from vector<1xi32>
      %dma_start3A_132 = arith.constant 0 : i32
      %dma_start3A_133 = tpu.memref_slice %arg10[%add3A_129, %dma_start3A_132] : memref<512x64xf32, #tpu.memory_space<vmem>> -> memref<1x64xf32, #tpu.memory_space<vmem>>
      %dma_start3A_134 = arith.constant 0 : i32
      %dma_start3A_135 = tpu.memref_slice %arg4[%squeeze3A_131, %dma_start3A_134] : memref<1000000x64xf32, #tpu.memory_space<hbm>> -> memref<1x64xf32, #tpu.memory_space<hbm>>
      %dma_start3A_136 = arith.constant 0 : i32
      %dma_start3A_137 = tpu.memref_slice %arg10[%add3A_129, %dma_start3A_136] : memref<512x64xf32, #tpu.memory_space<vmem>> -> memref<1x64xf32, #tpu.memory_space<vmem>>
      %dma_start3A_138 = arith.constant 0 : i32
      %dma_start3A_139 = tpu.memref_slice %arg4[%squeeze3A_131, %dma_start3A_138] : memref<1000000x64xf32, #tpu.memory_space<hbm>> -> memref<1x64xf32, #tpu.memory_space<hbm>>
      tpu.enqueue_dma source(%dma_start3A_139 : memref<1x64xf32, #tpu.memory_space<hbm>>) target(%dma_start3A_137 : memref<1x64xf32, #tpu.memory_space<vmem>>) target_semaphore(%arg11 : memref<!tpu.dma_semaphore, #tpu.memory_space<semaphore_mem>>)
      %mul3A_140 = arith.constant 16 : i32
      %mul3A_141 = arith.muli %scan3A_26, %mul3A_140 : i32
      %add3A_142 = arith.constant 8 : i32
      %add3A_143 = arith.addi %mul3A_141, %add3A_142 : i32
      %slice3A_144 = vector.extract_strided_slice %get3A_30 {offsets = [8], sizes = [1], strides = [1]} : vector<16xi32> to vector<1xi32>
      %squeeze3A_145 = vector.extract %slice3A_144[0] : i32 from vector<1xi32>
      %dma_start3A_146 = arith.constant 0 : i32
      %dma_start3A_147 = tpu.memref_slice %arg10[%add3A_143, %dma_start3A_146] : memref<512x64xf32, #tpu.memory_space<vmem>> -> memref<1x64xf32, #tpu.memory_space<vmem>>
      %dma_start3A_148 = arith.constant 0 : i32
      %dma_start3A_149 = tpu.memref_slice %arg4[%squeeze3A_145, %dma_start3A_148] : memref<1000000x64xf32, #tpu.memory_space<hbm>> -> memref<1x64xf32, #tpu.memory_space<hbm>>
      %dma_start3A_150 = arith.constant 0 : i32
      %dma_start3A_151 = tpu.memref_slice %arg10[%add3A_143, %dma_start3A_150] : memref<512x64xf32, #tpu.memory_space<vmem>> -> memref<1x64xf32, #tpu.memory_space<vmem>>
      %dma_start3A_152 = arith.constant 0 : i32
      %dma_start3A_153 = tpu.memref_slice %arg4[%squeeze3A_145, %dma_start3A_152] : memref<1000000x64xf32, #tpu.memory_space<hbm>> -> memref<1x64xf32, #tpu.memory_space<hbm>>
      tpu.enqueue_dma source(%dma_start3A_153 : memref<1x64xf32, #tpu.memory_space<hbm>>) target(%dma_start3A_151 : memref<1x64xf32, #tpu.memory_space<vmem>>) target_semaphore(%arg11 : memref<!tpu.dma_semaphore, #tpu.memory_space<semaphore_mem>>)
      %mul3A_154 = arith.constant 16 : i32
      %mul3A_155 = arith.muli %scan3A_26, %mul3A_154 : i32
      %add3A_156 = arith.constant 9 : i32
      %add3A_157 = arith.addi %mul3A_155, %add3A_156 : i32
      %slice3A_158 = vector.extract_strided_slice %get3A_30 {offsets = [9], sizes = [1], strides = [1]} : vector<16xi32> to vector<1xi32>
      %squeeze3A_159 = vector.extract %slice3A_158[0] : i32 from vector<1xi32>
      %dma_start3A_160 = arith.constant 0 : i32
      %dma_start3A_161 = tpu.memref_slice %arg10[%add3A_157, %dma_start3A_160] : memref<512x64xf32, #tpu.memory_space<vmem>> -> memref<1x64xf32, #tpu.memory_space<vmem>>
      %dma_start3A_162 = arith.constant 0 : i32
      %dma_start3A_163 = tpu.memref_slice %arg4[%squeeze3A_159, %dma_start3A_162] : memref<1000000x64xf32, #tpu.memory_space<hbm>> -> memref<1x64xf32, #tpu.memory_space<hbm>>
      %dma_start3A_164 = arith.constant 0 : i32
      %dma_start3A_165 = tpu.memref_slice %arg10[%add3A_157, %dma_start3A_164] : memref<512x64xf32, #tpu.memory_space<vmem>> -> memref<1x64xf32, #tpu.memory_space<vmem>>
      %dma_start3A_166 = arith.constant 0 : i32
      %dma_start3A_167 = tpu.memref_slice %arg4[%squeeze3A_159, %dma_start3A_166] : memref<1000000x64xf32, #tpu.memory_space<hbm>> -> memref<1x64xf32, #tpu.memory_space<hbm>>
      tpu.enqueue_dma source(%dma_start3A_167 : memref<1x64xf32, #tpu.memory_space<hbm>>) target(%dma_start3A_165 : memref<1x64xf32, #tpu.memory_space<vmem>>) target_semaphore(%arg11 : memref<!tpu.dma_semaphore, #tpu.memory_space<semaphore_mem>>)
      %mul3A_168 = arith.constant 16 : i32
      %mul3A_169 = arith.muli %scan3A_26, %mul3A_168 : i32
      %add3A_170 = arith.constant 10 : i32
      %add3A_171 = arith.addi %mul3A_169, %add3A_170 : i32
      %slice3A_172 = vector.extract_strided_slice %get3A_30 {offsets = [10], sizes = [1], strides = [1]} : vector<16xi32> to vector<1xi32>
      %squeeze3A_173 = vector.extract %slice3A_172[0] : i32 from vector<1xi32>
      %dma_start3A_174 = arith.constant 0 : i32
      %dma_start3A_175 = tpu.memref_slice %arg10[%add3A_171, %dma_start3A_174] : memref<512x64xf32, #tpu.memory_space<vmem>> -> memref<1x64xf32, #tpu.memory_space<vmem>>
      %dma_start3A_176 = arith.constant 0 : i32
      %dma_start3A_177 = tpu.memref_slice %arg4[%squeeze3A_173, %dma_start3A_176] : memref<1000000x64xf32, #tpu.memory_space<hbm>> -> memref<1x64xf32, #tpu.memory_space<hbm>>
      %dma_start3A_178 = arith.constant 0 : i32
      %dma_start3A_179 = tpu.memref_slice %arg10[%add3A_171, %dma_start3A_178] : memref<512x64xf32, #tpu.memory_space<vmem>> -> memref<1x64xf32, #tpu.memory_space<vmem>>
      %dma_start3A_180 = arith.constant 0 : i32
      %dma_start3A_181 = tpu.memref_slice %arg4[%squeeze3A_173, %dma_start3A_180] : memref<1000000x64xf32, #tpu.memory_space<hbm>> -> memref<1x64xf32, #tpu.memory_space<hbm>>
      tpu.enqueue_dma source(%dma_start3A_181 : memref<1x64xf32, #tpu.memory_space<hbm>>) target(%dma_start3A_179 : memref<1x64xf32, #tpu.memory_space<vmem>>) target_semaphore(%arg11 : memref<!tpu.dma_semaphore, #tpu.memory_space<semaphore_mem>>)
      %mul3A_182 = arith.constant 16 : i32
      %mul3A_183 = arith.muli %scan3A_26, %mul3A_182 : i32
      %add3A_184 = arith.constant 11 : i32
      %add3A_185 = arith.addi %mul3A_183, %add3A_184 : i32
      %slice3A_186 = vector.extract_strided_slice %get3A_30 {offsets = [11], sizes = [1], strides = [1]} : vector<16xi32> to vector<1xi32>
      %squeeze3A_187 = vector.extract %slice3A_186[0] : i32 from vector<1xi32>
      %dma_start3A_188 = arith.constant 0 : i32
      %dma_start3A_189 = tpu.memref_slice %arg10[%add3A_185, %dma_start3A_188] : memref<512x64xf32, #tpu.memory_space<vmem>> -> memref<1x64xf32, #tpu.memory_space<vmem>>
      %dma_start3A_190 = arith.constant 0 : i32
      %dma_start3A_191 = tpu.memref_slice %arg4[%squeeze3A_187, %dma_start3A_190] : memref<1000000x64xf32, #tpu.memory_space<hbm>> -> memref<1x64xf32, #tpu.memory_space<hbm>>
      %dma_start3A_192 = arith.constant 0 : i32
      %dma_start3A_193 = tpu.memref_slice %arg10[%add3A_185, %dma_start3A_192] : memref<512x64xf32, #tpu.memory_space<vmem>> -> memref<1x64xf32, #tpu.memory_space<vmem>>
      %dma_start3A_194 = arith.constant 0 : i32
      %dma_start3A_195 = tpu.memref_slice %arg4[%squeeze3A_187, %dma_start3A_194] : memref<1000000x64xf32, #tpu.memory_space<hbm>> -> memref<1x64xf32, #tpu.memory_space<hbm>>
      tpu.enqueue_dma source(%dma_start3A_195 : memref<1x64xf32, #tpu.memory_space<hbm>>) target(%dma_start3A_193 : memref<1x64xf32, #tpu.memory_space<vmem>>) target_semaphore(%arg11 : memref<!tpu.dma_semaphore, #tpu.memory_space<semaphore_mem>>)
      %mul3A_196 = arith.constant 16 : i32
      %mul3A_197 = arith.muli %scan3A_26, %mul3A_196 : i32
      %add3A_198 = arith.constant 12 : i32
      %add3A_199 = arith.addi %mul3A_197, %add3A_198 : i32
      %slice3A_200 = vector.extract_strided_slice %get3A_30 {offsets = [12], sizes = [1], strides = [1]} : vector<16xi32> to vector<1xi32>
      %squeeze3A_201 = vector.extract %slice3A_200[0] : i32 from vector<1xi32>
      %dma_start3A_202 = arith.constant 0 : i32
      %dma_start3A_203 = tpu.memref_slice %arg10[%add3A_199, %dma_start3A_202] : memref<512x64xf32, #tpu.memory_space<vmem>> -> memref<1x64xf32, #tpu.memory_space<vmem>>
      %dma_start3A_204 = arith.constant 0 : i32
      %dma_start3A_205 = tpu.memref_slice %arg4[%squeeze3A_201, %dma_start3A_204] : memref<1000000x64xf32, #tpu.memory_space<hbm>> -> memref<1x64xf32, #tpu.memory_space<hbm>>
      %dma_start3A_206 = arith.constant 0 : i32
      %dma_start3A_207 = tpu.memref_slice %arg10[%add3A_199, %dma_start3A_206] : memref<512x64xf32, #tpu.memory_space<vmem>> -> memref<1x64xf32, #tpu.memory_space<vmem>>
      %dma_start3A_208 = arith.constant 0 : i32
      %dma_start3A_209 = tpu.memref_slice %arg4[%squeeze3A_201, %dma_start3A_208] : memref<1000000x64xf32, #tpu.memory_space<hbm>> -> memref<1x64xf32, #tpu.memory_space<hbm>>
      tpu.enqueue_dma source(%dma_start3A_209 : memref<1x64xf32, #tpu.memory_space<hbm>>) target(%dma_start3A_207 : memref<1x64xf32, #tpu.memory_space<vmem>>) target_semaphore(%arg11 : memref<!tpu.dma_semaphore, #tpu.memory_space<semaphore_mem>>)
      %mul3A_210 = arith.constant 16 : i32
      %mul3A_211 = arith.muli %scan3A_26, %mul3A_210 : i32
      %add3A_212 = arith.constant 13 : i32
      %add3A_213 = arith.addi %mul3A_211, %add3A_212 : i32
      %slice3A_214 = vector.extract_strided_slice %get3A_30 {offsets = [13], sizes = [1], strides = [1]} : vector<16xi32> to vector<1xi32>
      %squeeze3A_215 = vector.extract %slice3A_214[0] : i32 from vector<1xi32>
      %dma_start3A_216 = arith.constant 0 : i32
      %dma_start3A_217 = tpu.memref_slice %arg10[%add3A_213, %dma_start3A_216] : memref<512x64xf32, #tpu.memory_space<vmem>> -> memref<1x64xf32, #tpu.memory_space<vmem>>
      %dma_start3A_218 = arith.constant 0 : i32
      %dma_start3A_219 = tpu.memref_slice %arg4[%squeeze3A_215, %dma_start3A_218] : memref<1000000x64xf32, #tpu.memory_space<hbm>> -> memref<1x64xf32, #tpu.memory_space<hbm>>
      %dma_start3A_220 = arith.constant 0 : i32
      %dma_start3A_221 = tpu.memref_slice %arg10[%add3A_213, %dma_start3A_220] : memref<512x64xf32, #tpu.memory_space<vmem>> -> memref<1x64xf32, #tpu.memory_space<vmem>>
      %dma_start3A_222 = arith.constant 0 : i32
      %dma_start3A_223 = tpu.memref_slice %arg4[%squeeze3A_215, %dma_start3A_222] : memref<1000000x64xf32, #tpu.memory_space<hbm>> -> memref<1x64xf32, #tpu.memory_space<hbm>>
      tpu.enqueue_dma source(%dma_start3A_223 : memref<1x64xf32, #tpu.memory_space<hbm>>) target(%dma_start3A_221 : memref<1x64xf32, #tpu.memory_space<vmem>>) target_semaphore(%arg11 : memref<!tpu.dma_semaphore, #tpu.memory_space<semaphore_mem>>)
      %mul3A_224 = arith.constant 16 : i32
      %mul3A_225 = arith.muli %scan3A_26, %mul3A_224 : i32
      %add3A_226 = arith.constant 14 : i32
      %add3A_227 = arith.addi %mul3A_225, %add3A_226 : i32
      %slice3A_228 = vector.extract_strided_slice %get3A_30 {offsets = [14], sizes = [1], strides = [1]} : vector<16xi32> to vector<1xi32>
      %squeeze3A_229 = vector.extract %slice3A_228[0] : i32 from vector<1xi32>
      %dma_start3A_230 = arith.constant 0 : i32
      %dma_start3A_231 = tpu.memref_slice %arg10[%add3A_227, %dma_start3A_230] : memref<512x64xf32, #tpu.memory_space<vmem>> -> memref<1x64xf32, #tpu.memory_space<vmem>>
      %dma_start3A_232 = arith.constant 0 : i32
      %dma_start3A_233 = tpu.memref_slice %arg4[%squeeze3A_229, %dma_start3A_232] : memref<1000000x64xf32, #tpu.memory_space<hbm>> -> memref<1x64xf32, #tpu.memory_space<hbm>>
      %dma_start3A_234 = arith.constant 0 : i32
      %dma_start3A_235 = tpu.memref_slice %arg10[%add3A_227, %dma_start3A_234] : memref<512x64xf32, #tpu.memory_space<vmem>> -> memref<1x64xf32, #tpu.memory_space<vmem>>
      %dma_start3A_236 = arith.constant 0 : i32
      %dma_start3A_237 = tpu.memref_slice %arg4[%squeeze3A_229, %dma_start3A_236] : memref<1000000x64xf32, #tpu.memory_space<hbm>> -> memref<1x64xf32, #tpu.memory_space<hbm>>
      tpu.enqueue_dma source(%dma_start3A_237 : memref<1x64xf32, #tpu.memory_space<hbm>>) target(%dma_start3A_235 : memref<1x64xf32, #tpu.memory_space<vmem>>) target_semaphore(%arg11 : memref<!tpu.dma_semaphore, #tpu.memory_space<semaphore_mem>>)
      %mul3A_238 = arith.constant 16 : i32
      %mul3A_239 = arith.muli %scan3A_26, %mul3A_238 : i32
      %add3A_240 = arith.constant 15 : i32
      %add3A_241 = arith.addi %mul3A_239, %add3A_240 : i32
      %slice3A_242 = vector.extract_strided_slice %get3A_30 {offsets = [15], sizes = [1], strides = [1]} : vector<16xi32> to vector<1xi32>
      %squeeze3A_243 = vector.extract %slice3A_242[0] : i32 from vector<1xi32>
      %dma_start3A_244 = arith.constant 0 : i32
      %dma_start3A_245 = tpu.memref_slice %arg10[%add3A_241, %dma_start3A_244] : memref<512x64xf32, #tpu.memory_space<vmem>> -> memref<1x64xf32, #tpu.memory_space<vmem>>
      %dma_start3A_246 = arith.constant 0 : i32
      %dma_start3A_247 = tpu.memref_slice %arg4[%squeeze3A_243, %dma_start3A_246] : memref<1000000x64xf32, #tpu.memory_space<hbm>> -> memref<1x64xf32, #tpu.memory_space<hbm>>
      %dma_start3A_248 = arith.constant 0 : i32
      %dma_start3A_249 = tpu.memref_slice %arg10[%add3A_241, %dma_start3A_248] : memref<512x64xf32, #tpu.memory_space<vmem>> -> memref<1x64xf32, #tpu.memory_space<vmem>>
      %dma_start3A_250 = arith.constant 0 : i32
      %dma_start3A_251 = tpu.memref_slice %arg4[%squeeze3A_243, %dma_start3A_250] : memref<1000000x64xf32, #tpu.memory_space<hbm>> -> memref<1x64xf32, #tpu.memory_space<hbm>>
      tpu.enqueue_dma source(%dma_start3A_251 : memref<1x64xf32, #tpu.memory_space<hbm>>) target(%dma_start3A_249 : memref<1x64xf32, #tpu.memory_space<vmem>>) target_semaphore(%arg11 : memref<!tpu.dma_semaphore, #tpu.memory_space<semaphore_mem>>)
    }
    %scan3A_7 = arith.constant 32 : i32
    %scan3A_8 = arith.constant 0 : i32
    %scan3A_9 = arith.constant 0 : i32
    %scan3A_10 = arith.constant 512 : i32
    %scan3A_11 = arith.addi %scan3A_9, %scan3A_10 : i32
    %scan3A_12 = arith.constant 1 : i32
    scf.for %scan3A_26 = %scan3A_9 to %scan3A_11 step %scan3A_12  : i32 {
      %dma_wait3A = arith.constant 0 : i32
      %dma_wait3A_27 = tpu.memref_slice %arg10[%scan3A_26, %dma_wait3A] : memref<512x64xf32, #tpu.memory_space<vmem>> -> memref<1x64xf32, #tpu.memory_space<vmem>>
      %dma_wait3A_28 = arith.constant 0 : i32
      %dma_wait3A_29 = arith.constant 0 : i32
      %dma_wait3A_30 = tpu.memref_slice %arg4[%dma_wait3A_28, %dma_wait3A_29] : memref<1000000x64xf32, #tpu.memory_space<hbm>> -> memref<1x64xf32, #tpu.memory_space<hbm>>
      %dma_wait3A_31 = arith.constant 0 : i32
      %dma_wait3A_32 = tpu.memref_slice %arg10[%scan3A_26, %dma_wait3A_31] : memref<512x64xf32, #tpu.memory_space<vmem>> -> memref<1x64xf32, #tpu.memory_space<vmem>>
      %dma_wait3A_33 = arith.constant 0 : i32
      %dma_wait3A_34 = arith.constant 0 : i32
      %dma_wait3A_35 = tpu.memref_slice %arg4[%dma_wait3A_33, %dma_wait3A_34] : memref<1000000x64xf32, #tpu.memory_space<hbm>> -> memref<1x64xf32, #tpu.memory_space<hbm>>
      tpu.wait_dma2 semaphore(%arg11 : memref<!tpu.dma_semaphore, #tpu.memory_space<semaphore_mem>>) src(%dma_wait3A_35 : memref<1x64xf32, #tpu.memory_space<hbm>>) dst(%dma_wait3A_32 : memref<1x64xf32, #tpu.memory_space<vmem>>)
    }
    %scan3A_13 = arith.constant 512 : i32
    "tpu.region"() ({
      %run_scoped3A = tpu.sem_alloc : memref<!tpu.dma_semaphore, #tpu.memory_space<semaphore_mem>>
      %dma_start3A = arith.constant 0 : i32
      %dma_start3A_26 = tpu.memref_slice %arg6[%mul3A_2, %dma_start3A] : memref<16384x64xf32, #tpu.memory_space<hbm>> -> memref<512x64xf32, #tpu.memory_space<hbm>>
      %dma_start3A_27 = arith.constant 0 : i32
      %dma_start3A_28 = tpu.memref_slice %arg6[%mul3A_2, %dma_start3A_27] : memref<16384x64xf32, #tpu.memory_space<hbm>> -> memref<512x64xf32, #tpu.memory_space<hbm>>
      tpu.enqueue_dma source(%arg10 : memref<512x64xf32, #tpu.memory_space<vmem>>) target(%dma_start3A_28 : memref<512x64xf32, #tpu.memory_space<hbm>>) target_semaphore(%run_scoped3A : memref<!tpu.dma_semaphore, #tpu.memory_space<semaphore_mem>>)
      %dma_wait3A = arith.constant 0 : i32
      %dma_wait3A_29 = tpu.memref_slice %arg6[%mul3A_2, %dma_wait3A] : memref<16384x64xf32, #tpu.memory_space<hbm>> -> memref<512x64xf32, #tpu.memory_space<hbm>>
      %dma_wait3A_30 = arith.constant 0 : i32
      %dma_wait3A_31 = tpu.memref_slice %arg6[%mul3A_2, %dma_wait3A_30] : memref<16384x64xf32, #tpu.memory_space<hbm>> -> memref<512x64xf32, #tpu.memory_space<hbm>>
      tpu.wait_dma2 semaphore(%run_scoped3A : memref<!tpu.dma_semaphore, #tpu.memory_space<semaphore_mem>>) src(%arg10 : memref<512x64xf32, #tpu.memory_space<vmem>>) dst(%dma_wait3A_31 : memref<512x64xf32, #tpu.memory_space<hbm>>)
      tpu.yield
    }) : () -> ()
    %scan3A_14 = arith.constant 0 : i32
    %scan3A_15 = arith.constant 0 : i32
    %scan3A_16 = arith.constant 32 : i32
    %scan3A_17 = arith.addi %scan3A_15, %scan3A_16 : i32
    %scan3A_18 = arith.constant 1 : i32
    scf.for %scan3A_26 = %scan3A_15 to %scan3A_17 step %scan3A_18  : i32 {
      %mul3A_27 = arith.constant 16 : i32
      %mul3A_28 = arith.muli %scan3A_26, %mul3A_27 : i32
      %get3A = arith.index_cast %mul3A_28 : i32 to index
      %get3A_29 = tpu.vector_load %arg9[%get3A] {strides = array<i32>} : memref<512xi32, #tpu.memory_space<vmem>>, vector<16xi32>,
      %get3A_30 = vector.shape_cast %get3A_29 : vector<16xi32> to vector<16xi32>
      %mul3A_31 = arith.constant 16 : i32
      %mul3A_32 = arith.muli %scan3A_26, %mul3A_31 : i32
      %add3A_33 = arith.constant 0 : i32
      %add3A_34 = arith.addi %mul3A_32, %add3A_33 : i32
      %slice3A = vector.extract_strided_slice %get3A_30 {offsets = [0], sizes = [1], strides = [1]} : vector<16xi32> to vector<1xi32>
      %squeeze3A = vector.extract %slice3A[0] : i32 from vector<1xi32>
      %dma_start3A = arith.constant 0 : i32
      %dma_start3A_35 = tpu.memref_slice %arg10[%add3A_34, %dma_start3A] : memref<512x64xf32, #tpu.memory_space<vmem>> -> memref<1x64xf32, #tpu.memory_space<vmem>>
      %dma_start3A_36 = arith.constant 0 : i32
      %dma_start3A_37 = tpu.memref_slice %arg5[%squeeze3A, %dma_start3A_36] : memref<1000000x64xf32, #tpu.memory_space<hbm>> -> memref<1x64xf32, #tpu.memory_space<hbm>>
      %dma_start3A_38 = arith.constant 0 : i32
      %dma_start3A_39 = tpu.memref_slice %arg10[%add3A_34, %dma_start3A_38] : memref<512x64xf32, #tpu.memory_space<vmem>> -> memref<1x64xf32, #tpu.memory_space<vmem>>
      %dma_start3A_40 = arith.constant 0 : i32
      %dma_start3A_41 = tpu.memref_slice %arg5[%squeeze3A, %dma_start3A_40] : memref<1000000x64xf32, #tpu.memory_space<hbm>> -> memref<1x64xf32, #tpu.memory_space<hbm>>
      tpu.enqueue_dma source(%dma_start3A_41 : memref<1x64xf32, #tpu.memory_space<hbm>>) target(%dma_start3A_39 : memref<1x64xf32, #tpu.memory_space<vmem>>) target_semaphore(%arg11 : memref<!tpu.dma_semaphore, #tpu.memory_space<semaphore_mem>>)
      %mul3A_42 = arith.constant 16 : i32
      %mul3A_43 = arith.muli %scan3A_26, %mul3A_42 : i32
      %add3A_44 = arith.constant 1 : i32
      %add3A_45 = arith.addi %mul3A_43, %add3A_44 : i32
      %slice3A_46 = vector.extract_strided_slice %get3A_30 {offsets = [1], sizes = [1], strides = [1]} : vector<16xi32> to vector<1xi32>
      %squeeze3A_47 = vector.extract %slice3A_46[0] : i32 from vector<1xi32>
      %dma_start3A_48 = arith.constant 0 : i32
      %dma_start3A_49 = tpu.memref_slice %arg10[%add3A_45, %dma_start3A_48] : memref<512x64xf32, #tpu.memory_space<vmem>> -> memref<1x64xf32, #tpu.memory_space<vmem>>
      %dma_start3A_50 = arith.constant 0 : i32
      %dma_start3A_51 = tpu.memref_slice %arg5[%squeeze3A_47, %dma_start3A_50] : memref<1000000x64xf32, #tpu.memory_space<hbm>> -> memref<1x64xf32, #tpu.memory_space<hbm>>
      %dma_start3A_52 = arith.constant 0 : i32
      %dma_start3A_53 = tpu.memref_slice %arg10[%add3A_45, %dma_start3A_52] : memref<512x64xf32, #tpu.memory_space<vmem>> -> memref<1x64xf32, #tpu.memory_space<vmem>>
      %dma_start3A_54 = arith.constant 0 : i32
      %dma_start3A_55 = tpu.memref_slice %arg5[%squeeze3A_47, %dma_start3A_54] : memref<1000000x64xf32, #tpu.memory_space<hbm>> -> memref<1x64xf32, #tpu.memory_space<hbm>>
      tpu.enqueue_dma source(%dma_start3A_55 : memref<1x64xf32, #tpu.memory_space<hbm>>) target(%dma_start3A_53 : memref<1x64xf32, #tpu.memory_space<vmem>>) target_semaphore(%arg11 : memref<!tpu.dma_semaphore, #tpu.memory_space<semaphore_mem>>)
      %mul3A_56 = arith.constant 16 : i32
      %mul3A_57 = arith.muli %scan3A_26, %mul3A_56 : i32
      %add3A_58 = arith.constant 2 : i32
      %add3A_59 = arith.addi %mul3A_57, %add3A_58 : i32
      %slice3A_60 = vector.extract_strided_slice %get3A_30 {offsets = [2], sizes = [1], strides = [1]} : vector<16xi32> to vector<1xi32>
      %squeeze3A_61 = vector.extract %slice3A_60[0] : i32 from vector<1xi32>
      %dma_start3A_62 = arith.constant 0 : i32
      %dma_start3A_63 = tpu.memref_slice %arg10[%add3A_59, %dma_start3A_62] : memref<512x64xf32, #tpu.memory_space<vmem>> -> memref<1x64xf32, #tpu.memory_space<vmem>>
      %dma_start3A_64 = arith.constant 0 : i32
      %dma_start3A_65 = tpu.memref_slice %arg5[%squeeze3A_61, %dma_start3A_64] : memref<1000000x64xf32, #tpu.memory_space<hbm>> -> memref<1x64xf32, #tpu.memory_space<hbm>>
      %dma_start3A_66 = arith.constant 0 : i32
      %dma_start3A_67 = tpu.memref_slice %arg10[%add3A_59, %dma_start3A_66] : memref<512x64xf32, #tpu.memory_space<vmem>> -> memref<1x64xf32, #tpu.memory_space<vmem>>
      %dma_start3A_68 = arith.constant 0 : i32
      %dma_start3A_69 = tpu.memref_slice %arg5[%squeeze3A_61, %dma_start3A_68] : memref<1000000x64xf32, #tpu.memory_space<hbm>> -> memref<1x64xf32, #tpu.memory_space<hbm>>
      tpu.enqueue_dma source(%dma_start3A_69 : memref<1x64xf32, #tpu.memory_space<hbm>>) target(%dma_start3A_67 : memref<1x64xf32, #tpu.memory_space<vmem>>) target_semaphore(%arg11 : memref<!tpu.dma_semaphore, #tpu.memory_space<semaphore_mem>>)
      %mul3A_70 = arith.constant 16 : i32
      %mul3A_71 = arith.muli %scan3A_26, %mul3A_70 : i32
      %add3A_72 = arith.constant 3 : i32
      %add3A_73 = arith.addi %mul3A_71, %add3A_72 : i32
      %slice3A_74 = vector.extract_strided_slice %get3A_30 {offsets = [3], sizes = [1], strides = [1]} : vector<16xi32> to vector<1xi32>
      %squeeze3A_75 = vector.extract %slice3A_74[0] : i32 from vector<1xi32>
      %dma_start3A_76 = arith.constant 0 : i32
      %dma_start3A_77 = tpu.memref_slice %arg10[%add3A_73, %dma_start3A_76] : memref<512x64xf32, #tpu.memory_space<vmem>> -> memref<1x64xf32, #tpu.memory_space<vmem>>
      %dma_start3A_78 = arith.constant 0 : i32
      %dma_start3A_79 = tpu.memref_slice %arg5[%squeeze3A_75, %dma_start3A_78] : memref<1000000x64xf32, #tpu.memory_space<hbm>> -> memref<1x64xf32, #tpu.memory_space<hbm>>
      %dma_start3A_80 = arith.constant 0 : i32
      %dma_start3A_81 = tpu.memref_slice %arg10[%add3A_73, %dma_start3A_80] : memref<512x64xf32, #tpu.memory_space<vmem>> -> memref<1x64xf32, #tpu.memory_space<vmem>>
      %dma_start3A_82 = arith.constant 0 : i32
      %dma_start3A_83 = tpu.memref_slice %arg5[%squeeze3A_75, %dma_start3A_82] : memref<1000000x64xf32, #tpu.memory_space<hbm>> -> memref<1x64xf32, #tpu.memory_space<hbm>>
      tpu.enqueue_dma source(%dma_start3A_83 : memref<1x64xf32, #tpu.memory_space<hbm>>) target(%dma_start3A_81 : memref<1x64xf32, #tpu.memory_space<vmem>>) target_semaphore(%arg11 : memref<!tpu.dma_semaphore, #tpu.memory_space<semaphore_mem>>)
      %mul3A_84 = arith.constant 16 : i32
      %mul3A_85 = arith.muli %scan3A_26, %mul3A_84 : i32
      %add3A_86 = arith.constant 4 : i32
      %add3A_87 = arith.addi %mul3A_85, %add3A_86 : i32
      %slice3A_88 = vector.extract_strided_slice %get3A_30 {offsets = [4], sizes = [1], strides = [1]} : vector<16xi32> to vector<1xi32>
      %squeeze3A_89 = vector.extract %slice3A_88[0] : i32 from vector<1xi32>
      %dma_start3A_90 = arith.constant 0 : i32
      %dma_start3A_91 = tpu.memref_slice %arg10[%add3A_87, %dma_start3A_90] : memref<512x64xf32, #tpu.memory_space<vmem>> -> memref<1x64xf32, #tpu.memory_space<vmem>>
      %dma_start3A_92 = arith.constant 0 : i32
      %dma_start3A_93 = tpu.memref_slice %arg5[%squeeze3A_89, %dma_start3A_92] : memref<1000000x64xf32, #tpu.memory_space<hbm>> -> memref<1x64xf32, #tpu.memory_space<hbm>>
      %dma_start3A_94 = arith.constant 0 : i32
      %dma_start3A_95 = tpu.memref_slice %arg10[%add3A_87, %dma_start3A_94] : memref<512x64xf32, #tpu.memory_space<vmem>> -> memref<1x64xf32, #tpu.memory_space<vmem>>
      %dma_start3A_96 = arith.constant 0 : i32
      %dma_start3A_97 = tpu.memref_slice %arg5[%squeeze3A_89, %dma_start3A_96] : memref<1000000x64xf32, #tpu.memory_space<hbm>> -> memref<1x64xf32, #tpu.memory_space<hbm>>
      tpu.enqueue_dma source(%dma_start3A_97 : memref<1x64xf32, #tpu.memory_space<hbm>>) target(%dma_start3A_95 : memref<1x64xf32, #tpu.memory_space<vmem>>) target_semaphore(%arg11 : memref<!tpu.dma_semaphore, #tpu.memory_space<semaphore_mem>>)
      %mul3A_98 = arith.constant 16 : i32
      %mul3A_99 = arith.muli %scan3A_26, %mul3A_98 : i32
      %add3A_100 = arith.constant 5 : i32
      %add3A_101 = arith.addi %mul3A_99, %add3A_100 : i32
      %slice3A_102 = vector.extract_strided_slice %get3A_30 {offsets = [5], sizes = [1], strides = [1]} : vector<16xi32> to vector<1xi32>
      %squeeze3A_103 = vector.extract %slice3A_102[0] : i32 from vector<1xi32>
      %dma_start3A_104 = arith.constant 0 : i32
      %dma_start3A_105 = tpu.memref_slice %arg10[%add3A_101, %dma_start3A_104] : memref<512x64xf32, #tpu.memory_space<vmem>> -> memref<1x64xf32, #tpu.memory_space<vmem>>
      %dma_start3A_106 = arith.constant 0 : i32
      %dma_start3A_107 = tpu.memref_slice %arg5[%squeeze3A_103, %dma_start3A_106] : memref<1000000x64xf32, #tpu.memory_space<hbm>> -> memref<1x64xf32, #tpu.memory_space<hbm>>
      %dma_start3A_108 = arith.constant 0 : i32
      %dma_start3A_109 = tpu.memref_slice %arg10[%add3A_101, %dma_start3A_108] : memref<512x64xf32, #tpu.memory_space<vmem>> -> memref<1x64xf32, #tpu.memory_space<vmem>>
      %dma_start3A_110 = arith.constant 0 : i32
      %dma_start3A_111 = tpu.memref_slice %arg5[%squeeze3A_103, %dma_start3A_110] : memref<1000000x64xf32, #tpu.memory_space<hbm>> -> memref<1x64xf32, #tpu.memory_space<hbm>>
      tpu.enqueue_dma source(%dma_start3A_111 : memref<1x64xf32, #tpu.memory_space<hbm>>) target(%dma_start3A_109 : memref<1x64xf32, #tpu.memory_space<vmem>>) target_semaphore(%arg11 : memref<!tpu.dma_semaphore, #tpu.memory_space<semaphore_mem>>)
      %mul3A_112 = arith.constant 16 : i32
      %mul3A_113 = arith.muli %scan3A_26, %mul3A_112 : i32
      %add3A_114 = arith.constant 6 : i32
      %add3A_115 = arith.addi %mul3A_113, %add3A_114 : i32
      %slice3A_116 = vector.extract_strided_slice %get3A_30 {offsets = [6], sizes = [1], strides = [1]} : vector<16xi32> to vector<1xi32>
      %squeeze3A_117 = vector.extract %slice3A_116[0] : i32 from vector<1xi32>
      %dma_start3A_118 = arith.constant 0 : i32
      %dma_start3A_119 = tpu.memref_slice %arg10[%add3A_115, %dma_start3A_118] : memref<512x64xf32, #tpu.memory_space<vmem>> -> memref<1x64xf32, #tpu.memory_space<vmem>>
      %dma_start3A_120 = arith.constant 0 : i32
      %dma_start3A_121 = tpu.memref_slice %arg5[%squeeze3A_117, %dma_start3A_120] : memref<1000000x64xf32, #tpu.memory_space<hbm>> -> memref<1x64xf32, #tpu.memory_space<hbm>>
      %dma_start3A_122 = arith.constant 0 : i32
      %dma_start3A_123 = tpu.memref_slice %arg10[%add3A_115, %dma_start3A_122] : memref<512x64xf32, #tpu.memory_space<vmem>> -> memref<1x64xf32, #tpu.memory_space<vmem>>
      %dma_start3A_124 = arith.constant 0 : i32
      %dma_start3A_125 = tpu.memref_slice %arg5[%squeeze3A_117, %dma_start3A_124] : memref<1000000x64xf32, #tpu.memory_space<hbm>> -> memref<1x64xf32, #tpu.memory_space<hbm>>
      tpu.enqueue_dma source(%dma_start3A_125 : memref<1x64xf32, #tpu.memory_space<hbm>>) target(%dma_start3A_123 : memref<1x64xf32, #tpu.memory_space<vmem>>) target_semaphore(%arg11 : memref<!tpu.dma_semaphore, #tpu.memory_space<semaphore_mem>>)
      %mul3A_126 = arith.constant 16 : i32
      %mul3A_127 = arith.muli %scan3A_26, %mul3A_126 : i32
      %add3A_128 = arith.constant 7 : i32
      %add3A_129 = arith.addi %mul3A_127, %add3A_128 : i32
      %slice3A_130 = vector.extract_strided_slice %get3A_30 {offsets = [7], sizes = [1], strides = [1]} : vector<16xi32> to vector<1xi32>
      %squeeze3A_131 = vector.extract %slice3A_130[0] : i32 from vector<1xi32>
      %dma_start3A_132 = arith.constant 0 : i32
      %dma_start3A_133 = tpu.memref_slice %arg10[%add3A_129, %dma_start3A_132] : memref<512x64xf32, #tpu.memory_space<vmem>> -> memref<1x64xf32, #tpu.memory_space<vmem>>
      %dma_start3A_134 = arith.constant 0 : i32
      %dma_start3A_135 = tpu.memref_slice %arg5[%squeeze3A_131, %dma_start3A_134] : memref<1000000x64xf32, #tpu.memory_space<hbm>> -> memref<1x64xf32, #tpu.memory_space<hbm>>
      %dma_start3A_136 = arith.constant 0 : i32
      %dma_start3A_137 = tpu.memref_slice %arg10[%add3A_129, %dma_start3A_136] : memref<512x64xf32, #tpu.memory_space<vmem>> -> memref<1x64xf32, #tpu.memory_space<vmem>>
      %dma_start3A_138 = arith.constant 0 : i32
      %dma_start3A_139 = tpu.memref_slice %arg5[%squeeze3A_131, %dma_start3A_138] : memref<1000000x64xf32, #tpu.memory_space<hbm>> -> memref<1x64xf32, #tpu.memory_space<hbm>>
      tpu.enqueue_dma source(%dma_start3A_139 : memref<1x64xf32, #tpu.memory_space<hbm>>) target(%dma_start3A_137 : memref<1x64xf32, #tpu.memory_space<vmem>>) target_semaphore(%arg11 : memref<!tpu.dma_semaphore, #tpu.memory_space<semaphore_mem>>)
      %mul3A_140 = arith.constant 16 : i32
      %mul3A_141 = arith.muli %scan3A_26, %mul3A_140 : i32
      %add3A_142 = arith.constant 8 : i32
      %add3A_143 = arith.addi %mul3A_141, %add3A_142 : i32
      %slice3A_144 = vector.extract_strided_slice %get3A_30 {offsets = [8], sizes = [1], strides = [1]} : vector<16xi32> to vector<1xi32>
      %squeeze3A_145 = vector.extract %slice3A_144[0] : i32 from vector<1xi32>
      %dma_start3A_146 = arith.constant 0 : i32
      %dma_start3A_147 = tpu.memref_slice %arg10[%add3A_143, %dma_start3A_146] : memref<512x64xf32, #tpu.memory_space<vmem>> -> memref<1x64xf32, #tpu.memory_space<vmem>>
      %dma_start3A_148 = arith.constant 0 : i32
      %dma_start3A_149 = tpu.memref_slice %arg5[%squeeze3A_145, %dma_start3A_148] : memref<1000000x64xf32, #tpu.memory_space<hbm>> -> memref<1x64xf32, #tpu.memory_space<hbm>>
      %dma_start3A_150 = arith.constant 0 : i32
      %dma_start3A_151 = tpu.memref_slice %arg10[%add3A_143, %dma_start3A_150] : memref<512x64xf32, #tpu.memory_space<vmem>> -> memref<1x64xf32, #tpu.memory_space<vmem>>
      %dma_start3A_152 = arith.constant 0 : i32
      %dma_start3A_153 = tpu.memref_slice %arg5[%squeeze3A_145, %dma_start3A_152] : memref<1000000x64xf32, #tpu.memory_space<hbm>> -> memref<1x64xf32, #tpu.memory_space<hbm>>
      tpu.enqueue_dma source(%dma_start3A_153 : memref<1x64xf32, #tpu.memory_space<hbm>>) target(%dma_start3A_151 : memref<1x64xf32, #tpu.memory_space<vmem>>) target_semaphore(%arg11 : memref<!tpu.dma_semaphore, #tpu.memory_space<semaphore_mem>>)
      %mul3A_154 = arith.constant 16 : i32
      %mul3A_155 = arith.muli %scan3A_26, %mul3A_154 : i32
      %add3A_156 = arith.constant 9 : i32
      %add3A_157 = arith.addi %mul3A_155, %add3A_156 : i32
      %slice3A_158 = vector.extract_strided_slice %get3A_30 {offsets = [9], sizes = [1], strides = [1]} : vector<16xi32> to vector<1xi32>
      %squeeze3A_159 = vector.extract %slice3A_158[0] : i32 from vector<1xi32>
      %dma_start3A_160 = arith.constant 0 : i32
      %dma_start3A_161 = tpu.memref_slice %arg10[%add3A_157, %dma_start3A_160] : memref<512x64xf32, #tpu.memory_space<vmem>> -> memref<1x64xf32, #tpu.memory_space<vmem>>
      %dma_start3A_162 = arith.constant 0 : i32
      %dma_start3A_163 = tpu.memref_slice %arg5[%squeeze3A_159, %dma_start3A_162] : memref<1000000x64xf32, #tpu.memory_space<hbm>> -> memref<1x64xf32, #tpu.memory_space<hbm>>
      %dma_start3A_164 = arith.constant 0 : i32
      %dma_start3A_165 = tpu.memref_slice %arg10[%add3A_157, %dma_start3A_164] : memref<512x64xf32, #tpu.memory_space<vmem>> -> memref<1x64xf32, #tpu.memory_space<vmem>>
      %dma_start3A_166 = arith.constant 0 : i32
      %dma_start3A_167 = tpu.memref_slice %arg5[%squeeze3A_159, %dma_start3A_166] : memref<1000000x64xf32, #tpu.memory_space<hbm>> -> memref<1x64xf32, #tpu.memory_space<hbm>>
      tpu.enqueue_dma source(%dma_start3A_167 : memref<1x64xf32, #tpu.memory_space<hbm>>) target(%dma_start3A_165 : memref<1x64xf32, #tpu.memory_space<vmem>>) target_semaphore(%arg11 : memref<!tpu.dma_semaphore, #tpu.memory_space<semaphore_mem>>)
      %mul3A_168 = arith.constant 16 : i32
      %mul3A_169 = arith.muli %scan3A_26, %mul3A_168 : i32
      %add3A_170 = arith.constant 10 : i32
      %add3A_171 = arith.addi %mul3A_169, %add3A_170 : i32
      %slice3A_172 = vector.extract_strided_slice %get3A_30 {offsets = [10], sizes = [1], strides = [1]} : vector<16xi32> to vector<1xi32>
      %squeeze3A_173 = vector.extract %slice3A_172[0] : i32 from vector<1xi32>
      %dma_start3A_174 = arith.constant 0 : i32
      %dma_start3A_175 = tpu.memref_slice %arg10[%add3A_171, %dma_start3A_174] : memref<512x64xf32, #tpu.memory_space<vmem>> -> memref<1x64xf32, #tpu.memory_space<vmem>>
      %dma_start3A_176 = arith.constant 0 : i32
      %dma_start3A_177 = tpu.memref_slice %arg5[%squeeze3A_173, %dma_start3A_176] : memref<1000000x64xf32, #tpu.memory_space<hbm>> -> memref<1x64xf32, #tpu.memory_space<hbm>>
      %dma_start3A_178 = arith.constant 0 : i32
      %dma_start3A_179 = tpu.memref_slice %arg10[%add3A_171, %dma_start3A_178] : memref<512x64xf32, #tpu.memory_space<vmem>> -> memref<1x64xf32, #tpu.memory_space<vmem>>
      %dma_start3A_180 = arith.constant 0 : i32
      %dma_start3A_181 = tpu.memref_slice %arg5[%squeeze3A_173, %dma_start3A_180] : memref<1000000x64xf32, #tpu.memory_space<hbm>> -> memref<1x64xf32, #tpu.memory_space<hbm>>
      tpu.enqueue_dma source(%dma_start3A_181 : memref<1x64xf32, #tpu.memory_space<hbm>>) target(%dma_start3A_179 : memref<1x64xf32, #tpu.memory_space<vmem>>) target_semaphore(%arg11 : memref<!tpu.dma_semaphore, #tpu.memory_space<semaphore_mem>>)
      %mul3A_182 = arith.constant 16 : i32
      %mul3A_183 = arith.muli %scan3A_26, %mul3A_182 : i32
      %add3A_184 = arith.constant 11 : i32
      %add3A_185 = arith.addi %mul3A_183, %add3A_184 : i32
      %slice3A_186 = vector.extract_strided_slice %get3A_30 {offsets = [11], sizes = [1], strides = [1]} : vector<16xi32> to vector<1xi32>
      %squeeze3A_187 = vector.extract %slice3A_186[0] : i32 from vector<1xi32>
      %dma_start3A_188 = arith.constant 0 : i32
      %dma_start3A_189 = tpu.memref_slice %arg10[%add3A_185, %dma_start3A_188] : memref<512x64xf32, #tpu.memory_space<vmem>> -> memref<1x64xf32, #tpu.memory_space<vmem>>
      %dma_start3A_190 = arith.constant 0 : i32
      %dma_start3A_191 = tpu.memref_slice %arg5[%squeeze3A_187, %dma_start3A_190] : memref<1000000x64xf32, #tpu.memory_space<hbm>> -> memref<1x64xf32, #tpu.memory_space<hbm>>
      %dma_start3A_192 = arith.constant 0 : i32
      %dma_start3A_193 = tpu.memref_slice %arg10[%add3A_185, %dma_start3A_192] : memref<512x64xf32, #tpu.memory_space<vmem>> -> memref<1x64xf32, #tpu.memory_space<vmem>>
      %dma_start3A_194 = arith.constant 0 : i32
      %dma_start3A_195 = tpu.memref_slice %arg5[%squeeze3A_187, %dma_start3A_194] : memref<1000000x64xf32, #tpu.memory_space<hbm>> -> memref<1x64xf32, #tpu.memory_space<hbm>>
      tpu.enqueue_dma source(%dma_start3A_195 : memref<1x64xf32, #tpu.memory_space<hbm>>) target(%dma_start3A_193 : memref<1x64xf32, #tpu.memory_space<vmem>>) target_semaphore(%arg11 : memref<!tpu.dma_semaphore, #tpu.memory_space<semaphore_mem>>)
      %mul3A_196 = arith.constant 16 : i32
      %mul3A_197 = arith.muli %scan3A_26, %mul3A_196 : i32
      %add3A_198 = arith.constant 12 : i32
      %add3A_199 = arith.addi %mul3A_197, %add3A_198 : i32
      %slice3A_200 = vector.extract_strided_slice %get3A_30 {offsets = [12], sizes = [1], strides = [1]} : vector<16xi32> to vector<1xi32>
      %squeeze3A_201 = vector.extract %slice3A_200[0] : i32 from vector<1xi32>
      %dma_start3A_202 = arith.constant 0 : i32
      %dma_start3A_203 = tpu.memref_slice %arg10[%add3A_199, %dma_start3A_202] : memref<512x64xf32, #tpu.memory_space<vmem>> -> memref<1x64xf32, #tpu.memory_space<vmem>>
      %dma_start3A_204 = arith.constant 0 : i32
      %dma_start3A_205 = tpu.memref_slice %arg5[%squeeze3A_201, %dma_start3A_204] : memref<1000000x64xf32, #tpu.memory_space<hbm>> -> memref<1x64xf32, #tpu.memory_space<hbm>>
      %dma_start3A_206 = arith.constant 0 : i32
      %dma_start3A_207 = tpu.memref_slice %arg10[%add3A_199, %dma_start3A_206] : memref<512x64xf32, #tpu.memory_space<vmem>> -> memref<1x64xf32, #tpu.memory_space<vmem>>
      %dma_start3A_208 = arith.constant 0 : i32
      %dma_start3A_209 = tpu.memref_slice %arg5[%squeeze3A_201, %dma_start3A_208] : memref<1000000x64xf32, #tpu.memory_space<hbm>> -> memref<1x64xf32, #tpu.memory_space<hbm>>
      tpu.enqueue_dma source(%dma_start3A_209 : memref<1x64xf32, #tpu.memory_space<hbm>>) target(%dma_start3A_207 : memref<1x64xf32, #tpu.memory_space<vmem>>) target_semaphore(%arg11 : memref<!tpu.dma_semaphore, #tpu.memory_space<semaphore_mem>>)
      %mul3A_210 = arith.constant 16 : i32
      %mul3A_211 = arith.muli %scan3A_26, %mul3A_210 : i32
      %add3A_212 = arith.constant 13 : i32
      %add3A_213 = arith.addi %mul3A_211, %add3A_212 : i32
      %slice3A_214 = vector.extract_strided_slice %get3A_30 {offsets = [13], sizes = [1], strides = [1]} : vector<16xi32> to vector<1xi32>
      %squeeze3A_215 = vector.extract %slice3A_214[0] : i32 from vector<1xi32>
      %dma_start3A_216 = arith.constant 0 : i32
      %dma_start3A_217 = tpu.memref_slice %arg10[%add3A_213, %dma_start3A_216] : memref<512x64xf32, #tpu.memory_space<vmem>> -> memref<1x64xf32, #tpu.memory_space<vmem>>
      %dma_start3A_218 = arith.constant 0 : i32
      %dma_start3A_219 = tpu.memref_slice %arg5[%squeeze3A_215, %dma_start3A_218] : memref<1000000x64xf32, #tpu.memory_space<hbm>> -> memref<1x64xf32, #tpu.memory_space<hbm>>
      %dma_start3A_220 = arith.constant 0 : i32
      %dma_start3A_221 = tpu.memref_slice %arg10[%add3A_213, %dma_start3A_220] : memref<512x64xf32, #tpu.memory_space<vmem>> -> memref<1x64xf32, #tpu.memory_space<vmem>>
      %dma_start3A_222 = arith.constant 0 : i32
      %dma_start3A_223 = tpu.memref_slice %arg5[%squeeze3A_215, %dma_start3A_222] : memref<1000000x64xf32, #tpu.memory_space<hbm>> -> memref<1x64xf32, #tpu.memory_space<hbm>>
      tpu.enqueue_dma source(%dma_start3A_223 : memref<1x64xf32, #tpu.memory_space<hbm>>) target(%dma_start3A_221 : memref<1x64xf32, #tpu.memory_space<vmem>>) target_semaphore(%arg11 : memref<!tpu.dma_semaphore, #tpu.memory_space<semaphore_mem>>)
      %mul3A_224 = arith.constant 16 : i32
      %mul3A_225 = arith.muli %scan3A_26, %mul3A_224 : i32
      %add3A_226 = arith.constant 14 : i32
      %add3A_227 = arith.addi %mul3A_225, %add3A_226 : i32
      %slice3A_228 = vector.extract_strided_slice %get3A_30 {offsets = [14], sizes = [1], strides = [1]} : vector<16xi32> to vector<1xi32>
      %squeeze3A_229 = vector.extract %slice3A_228[0] : i32 from vector<1xi32>
      %dma_start3A_230 = arith.constant 0 : i32
      %dma_start3A_231 = tpu.memref_slice %arg10[%add3A_227, %dma_start3A_230] : memref<512x64xf32, #tpu.memory_space<vmem>> -> memref<1x64xf32, #tpu.memory_space<vmem>>
      %dma_start3A_232 = arith.constant 0 : i32
      %dma_start3A_233 = tpu.memref_slice %arg5[%squeeze3A_229, %dma_start3A_232] : memref<1000000x64xf32, #tpu.memory_space<hbm>> -> memref<1x64xf32, #tpu.memory_space<hbm>>
      %dma_start3A_234 = arith.constant 0 : i32
      %dma_start3A_235 = tpu.memref_slice %arg10[%add3A_227, %dma_start3A_234] : memref<512x64xf32, #tpu.memory_space<vmem>> -> memref<1x64xf32, #tpu.memory_space<vmem>>
      %dma_start3A_236 = arith.constant 0 : i32
      %dma_start3A_237 = tpu.memref_slice %arg5[%squeeze3A_229, %dma_start3A_236] : memref<1000000x64xf32, #tpu.memory_space<hbm>> -> memref<1x64xf32, #tpu.memory_space<hbm>>
      tpu.enqueue_dma source(%dma_start3A_237 : memref<1x64xf32, #tpu.memory_space<hbm>>) target(%dma_start3A_235 : memref<1x64xf32, #tpu.memory_space<vmem>>) target_semaphore(%arg11 : memref<!tpu.dma_semaphore, #tpu.memory_space<semaphore_mem>>)
      %mul3A_238 = arith.constant 16 : i32
      %mul3A_239 = arith.muli %scan3A_26, %mul3A_238 : i32
      %add3A_240 = arith.constant 15 : i32
      %add3A_241 = arith.addi %mul3A_239, %add3A_240 : i32
      %slice3A_242 = vector.extract_strided_slice %get3A_30 {offsets = [15], sizes = [1], strides = [1]} : vector<16xi32> to vector<1xi32>
      %squeeze3A_243 = vector.extract %slice3A_242[0] : i32 from vector<1xi32>
      %dma_start3A_244 = arith.constant 0 : i32
      %dma_start3A_245 = tpu.memref_slice %arg10[%add3A_241, %dma_start3A_244] : memref<512x64xf32, #tpu.memory_space<vmem>> -> memref<1x64xf32, #tpu.memory_space<vmem>>
      %dma_start3A_246 = arith.constant 0 : i32
      %dma_start3A_247 = tpu.memref_slice %arg5[%squeeze3A_243, %dma_start3A_246] : memref<1000000x64xf32, #tpu.memory_space<hbm>> -> memref<1x64xf32, #tpu.memory_space<hbm>>
      %dma_start3A_248 = arith.constant 0 : i32
      %dma_start3A_249 = tpu.memref_slice %arg10[%add3A_241, %dma_start3A_248] : memref<512x64xf32, #tpu.memory_space<vmem>> -> memref<1x64xf32, #tpu.memory_space<vmem>>
      %dma_start3A_250 = arith.constant 0 : i32
      %dma_start3A_251 = tpu.memref_slice %arg5[%squeeze3A_243, %dma_start3A_250] : memref<1000000x64xf32, #tpu.memory_space<hbm>> -> memref<1x64xf32, #tpu.memory_space<hbm>>
      tpu.enqueue_dma source(%dma_start3A_251 : memref<1x64xf32, #tpu.memory_space<hbm>>) target(%dma_start3A_249 : memref<1x64xf32, #tpu.memory_space<vmem>>) target_semaphore(%arg11 : memref<!tpu.dma_semaphore, #tpu.memory_space<semaphore_mem>>)
    }
    %scan3A_19 = arith.constant 32 : i32
    %scan3A_20 = arith.constant 0 : i32
    %scan3A_21 = arith.constant 0 : i32
    %scan3A_22 = arith.constant 512 : i32
    %scan3A_23 = arith.addi %scan3A_21, %scan3A_22 : i32
    %scan3A_24 = arith.constant 1 : i32
    scf.for %scan3A_26 = %scan3A_21 to %scan3A_23 step %scan3A_24  : i32 {
      %dma_wait3A = arith.constant 0 : i32
      %dma_wait3A_27 = tpu.memref_slice %arg10[%scan3A_26, %dma_wait3A] : memref<512x64xf32, #tpu.memory_space<vmem>> -> memref<1x64xf32, #tpu.memory_space<vmem>>
      %dma_wait3A_28 = arith.constant 0 : i32
      %dma_wait3A_29 = arith.constant 0 : i32
      %dma_wait3A_30 = tpu.memref_slice %arg5[%dma_wait3A_28, %dma_wait3A_29] : memref<1000000x64xf32, #tpu.memory_space<hbm>> -> memref<1x64xf32, #tpu.memory_space<hbm>>
      %dma_wait3A_31 = arith.constant 0 : i32
      %dma_wait3A_32 = tpu.memref_slice %arg10[%scan3A_26, %dma_wait3A_31] : memref<512x64xf32, #tpu.memory_space<vmem>> -> memref<1x64xf32, #tpu.memory_space<vmem>>
      %dma_wait3A_33 = arith.constant 0 : i32
      %dma_wait3A_34 = arith.constant 0 : i32
      %dma_wait3A_35 = tpu.memref_slice %arg5[%dma_wait3A_33, %dma_wait3A_34] : memref<1000000x64xf32, #tpu.memory_space<hbm>> -> memref<1x64xf32, #tpu.memory_space<hbm>>
      tpu.wait_dma2 semaphore(%arg11 : memref<!tpu.dma_semaphore, #tpu.memory_space<semaphore_mem>>) src(%dma_wait3A_35 : memref<1x64xf32, #tpu.memory_space<hbm>>) dst(%dma_wait3A_32 : memref<1x64xf32, #tpu.memory_space<vmem>>)
    }
    %scan3A_25 = arith.constant 512 : i32
    "tpu.region"() ({
      %run_scoped3A = tpu.sem_alloc : memref<!tpu.dma_semaphore, #tpu.memory_space<semaphore_mem>>
      %dma_start3A = arith.constant 0 : i32
      %dma_start3A_26 = tpu.memref_slice %arg7[%mul3A_2, %dma_start3A] : memref<16384x64xf32, #tpu.memory_space<hbm>> -> memref<512x64xf32, #tpu.memory_space<hbm>>
      %dma_start3A_27 = arith.constant 0 : i32
      %dma_start3A_28 = tpu.memref_slice %arg7[%mul3A_2, %dma_start3A_27] : memref<16384x64xf32, #tpu.memory_space<hbm>> -> memref<512x64xf32, #tpu.memory_space<hbm>>
      tpu.enqueue_dma source(%arg10 : memref<512x64xf32, #tpu.memory_space<vmem>>) target(%dma_start3A_28 : memref<512x64xf32, #tpu.memory_space<hbm>>) target_semaphore(%run_scoped3A : memref<!tpu.dma_semaphore, #tpu.memory_space<semaphore_mem>>)
      %dma_wait3A = arith.constant 0 : i32
      %dma_wait3A_29 = tpu.memref_slice %arg7[%mul3A_2, %dma_wait3A] : memref<16384x64xf32, #tpu.memory_space<hbm>> -> memref<512x64xf32, #tpu.memory_space<hbm>>
      %dma_wait3A_30 = arith.constant 0 : i32
      %dma_wait3A_31 = tpu.memref_slice %arg7[%mul3A_2, %dma_wait3A_30] : memref<16384x64xf32, #tpu.memory_space<hbm>> -> memref<512x64xf32, #tpu.memory_space<hbm>>
      tpu.wait_dma2 semaphore(%run_scoped3A : memref<!tpu.dma_semaphore, #tpu.memory_space<semaphore_mem>>) src(%arg10 : memref<512x64xf32, #tpu.memory_space<vmem>>) dst(%dma_wait3A_31 : memref<512x64xf32, #tpu.memory_space<hbm>>)
      tpu.yield
    }) : () -> ()
    return
  }
}

module attributes {stable_mosaic.version = 14 : i64} {
  func.func @_mlp_body(%arg0: i32, %arg1: memref<1024x64xf32, #tpu.memory_space<vmem>>, %arg2: memref<1024x64xf32, #tpu.memory_space<vmem>>, %arg3: memref<64x128xf32, #tpu.memory_space<vmem>>, %arg4: memref<64x128xf32, #tpu.memory_space<vmem>>, %arg5: memref<1x128xf32, #tpu.memory_space<vmem>>, %arg6: memref<1x128xf32, #tpu.memory_space<vmem>>, %arg7: memref<1x1xf32, #tpu.memory_space<smem>>, %arg8: memref<1024x1xf32, #tpu.memory_space<vmem>>) attributes {dimension_semantics = [#tpu.dimension_semantics<arbitrary>], iteration_bounds = array<i64: 16>, scalar_prefetch = 0 : i64, scratch_operands = 0 : i64, tpu.core_type = #tpu.core_type<tc>, window_params = [{transform_indices = @transform_0, window_bounds = array<i64: 1024, 64>}, {transform_indices = @transform_1, window_bounds = array<i64: 1024, 64>}, {pipeline_mode = #tpu.pipeline_mode<synchronous>, transform_indices = @transform_2, window_bounds = array<i64: 64, 128>}, {pipeline_mode = #tpu.pipeline_mode<synchronous>, transform_indices = @transform_3, window_bounds = array<i64: 64, 128>}, {pipeline_mode = #tpu.pipeline_mode<synchronous>, transform_indices = @transform_4, window_bounds = array<i64: 1, 128>}, {pipeline_mode = #tpu.pipeline_mode<synchronous>, transform_indices = @transform_5, window_bounds = array<i64: 1, 128>}, {transform_indices = @transform_6, window_bounds = array<i64: 1, 1>}, {transform_indices = @transform_7, window_bounds = array<i64: 1024, 1>}]} {
    %get3A = arith.constant 0 : index
    %get3A_0 = arith.constant 0 : index
    %get3A_1 = vector.load %arg1[%get3A, %get3A_0] : memref<1024x64xf32, #tpu.memory_space<vmem>>, vector<1024x64xf32>
    %get3A_2 = arith.constant 0 : index
    %get3A_3 = arith.constant 0 : index
    %get3A_4 = vector.load %arg3[%get3A_2, %get3A_3] : memref<64x128xf32, #tpu.memory_space<vmem>>, vector<64x128xf32>
    %dot_general3A = arith.constant dense<0.000000e+00> : vector<1024x128xf32>
    %dot_general3A_5 = tpu.matmul %get3A_1, %get3A_4, %dot_general3A {dimension_numbers = #tpu.dot_dimension_numbers<[1], [0], [0], [1], [0, 0, 1, 1], [], []>, transpose_lhs_hint = false} : vector<1024x64xf32>, vector<64x128xf32>, vector<1024x128xf32> -> vector<1024x128xf32>
    %get3A_6 = arith.constant 0 : index
    %get3A_7 = arith.constant 0 : index
    %get3A_8 = vector.load %arg2[%get3A_6, %get3A_7] : memref<1024x64xf32, #tpu.memory_space<vmem>>, vector<1024x64xf32>
    %get3A_9 = arith.constant 0 : index
    %get3A_10 = arith.constant 0 : index
    %get3A_11 = vector.load %arg4[%get3A_9, %get3A_10] : memref<64x128xf32, #tpu.memory_space<vmem>>, vector<64x128xf32>
    %dot_general3A_12 = arith.constant dense<0.000000e+00> : vector<1024x128xf32>
    %dot_general3A_13 = tpu.matmul %get3A_8, %get3A_11, %dot_general3A_12 {dimension_numbers = #tpu.dot_dimension_numbers<[1], [0], [0], [1], [0, 0, 1, 1], [], []>, transpose_lhs_hint = false} : vector<1024x64xf32>, vector<64x128xf32>, vector<1024x128xf32> -> vector<1024x128xf32>
    %add3A = arith.addf %dot_general3A_5, %dot_general3A_13 : vector<1024x128xf32>
    %get3A_14 = arith.constant 0 : index
    %get3A_15 = arith.constant 0 : index
    %get3A_16 = vector.load %arg5[%get3A_14, %get3A_15] : memref<1x128xf32, #tpu.memory_space<vmem>>, vector<1x128xf32>
    %add3A_17 = vector.broadcast %get3A_16 : vector<1x128xf32> to vector<1024x128xf32>
    %add3A_18 = arith.addf %add3A, %add3A_17 : vector<1024x128xf32>
    %max3A = arith.constant 0.000000e+00 : f32
    %max3A_19 = vector.broadcast %max3A : f32 to vector<1024x128xf32>
    %max3A_20 = arith.maximumf %add3A_18, %max3A_19 : vector<1024x128xf32>
    %get3A_21 = arith.constant 0 : index
    %get3A_22 = arith.constant 0 : index
    %get3A_23 = vector.load %arg6[%get3A_21, %get3A_22] : memref<1x128xf32, #tpu.memory_space<vmem>>, vector<1x128xf32>
    %mul3A = vector.broadcast %get3A_23 : vector<1x128xf32> to vector<1024x128xf32>
    %mul3A_24 = arith.mulf %max3A_20, %mul3A : vector<1024x128xf32>
    %reduce_sum3A = arith.constant dense<0.000000e+00> : vector<1024xf32>
    %reduce_sum3A_25 = vector.multi_reduction <add>, %mul3A_24, %reduce_sum3A [1] : vector<1024x128xf32> to vector<1024xf32>
    %broadcast_in_dim3A = vector.shape_cast %reduce_sum3A_25 : vector<1024xf32> to vector<1024x1xf32>
    %get3A_26 = arith.constant 0 : index
    %get3A_27 = arith.constant 0 : index
    %get3A_28 = memref.load %arg7[%get3A_26, %get3A_27] : memref<1x1xf32, #tpu.memory_space<smem>>
    %add3A_29 = vector.broadcast %get3A_28 : f32 to vector<1024x1xf32>
    %add3A_30 = arith.addf %broadcast_in_dim3A, %add3A_29 : vector<1024x1xf32>
    %neg3A = arith.constant 0.000000e+00 : f32
    %neg3A_31 = vector.broadcast %neg3A : f32 to vector<1024x1xf32>
    %neg3A_32 = arith.subf %neg3A_31, %add3A_30 : vector<1024x1xf32>
    %exp3A = math.exp %neg3A_32 : vector<1024x1xf32>
    %add3A_33 = arith.constant 1.000000e+00 : f32
    %add3A_34 = vector.broadcast %add3A_33 : f32 to vector<1024x1xf32>
    %add3A_35 = arith.addf %add3A_34, %exp3A : vector<1024x1xf32>
    %div3A = arith.constant 1.000000e+00 : f32
    %div3A_36 = vector.broadcast %div3A : f32 to vector<1024x1xf32>
    %div3A_37 = arith.divf %div3A_36, %add3A_35 : vector<1024x1xf32>
    %swap3A = arith.constant 0 : index
    %swap3A_38 = arith.constant 0 : index
    %swap3A_39 = vector.load %arg8[%swap3A, %swap3A_38] : memref<1024x1xf32, #tpu.memory_space<vmem>>, vector<1024x1xf32>
    tpu.vector_store %arg8[%swap3A, %swap3A_38], %div3A_37 {strides = array<i32>} : memref<1024x1xf32, #tpu.memory_space<vmem>>, vector<1024x1xf32>,
    return
  }
  func.func @transform_0(%arg0: i32) -> (i32, i32) {
    %c0_i32 = arith.constant 0 : i32
    %c0_i32_0 = arith.constant 0 : i32
    return %arg0, %c0_i32 : i32, i32
  }
  func.func @transform_1(%arg0: i32) -> (i32, i32) {
    %c0_i32 = arith.constant 0 : i32
    %c0_i32_0 = arith.constant 0 : i32
    return %arg0, %c0_i32 : i32, i32
  }
  func.func @transform_2(%arg0: i32) -> (i32, i32) {
    %c0_i32 = arith.constant 0 : i32
    %c0_i32_0 = arith.constant 0 : i32
    %c0_i32_1 = arith.constant 0 : i32
    return %c0_i32, %c0_i32_0 : i32, i32
  }
  func.func @transform_3(%arg0: i32) -> (i32, i32) {
    %c0_i32 = arith.constant 0 : i32
    %c0_i32_0 = arith.constant 0 : i32
    %c0_i32_1 = arith.constant 0 : i32
    return %c0_i32, %c0_i32_0 : i32, i32
  }
  func.func @transform_4(%arg0: i32) -> (i32, i32) {
    %c0_i32 = arith.constant 0 : i32
    %c0_i32_0 = arith.constant 0 : i32
    %c0_i32_1 = arith.constant 0 : i32
    return %c0_i32, %c0_i32_0 : i32, i32
  }
  func.func @transform_5(%arg0: i32) -> (i32, i32) {
    %c0_i32 = arith.constant 0 : i32
    %c0_i32_0 = arith.constant 0 : i32
    %c0_i32_1 = arith.constant 0 : i32
    return %c0_i32, %c0_i32_0 : i32, i32
  }
  func.func @transform_6(%arg0: i32) -> (i32, i32) {
    %c0_i32 = arith.constant 0 : i32
    %c0_i32_0 = arith.constant 0 : i32
    %c0_i32_1 = arith.constant 0 : i32
    return %c0_i32, %c0_i32_0 : i32, i32
  }
  func.func @transform_7(%arg0: i32) -> (i32, i32) {
    %c0_i32 = arith.constant 0 : i32
    %c0_i32_0 = arith.constant 0 : i32
    return %arg0, %c0_i32 : i32, i32
  }
}

</mosaic_0001>

<sc_bundles>
// kernel: kernel.4.cloned.1.call-start
scs
__scs_entry_jumppad:
0x0: {  	(pc) =	sbr.rel $0x88, $3  }
0x1: {  	(tag) =	ssettag $0x0;
	lr =	simm.s32 $0x1  }
0x2: {  	[smem:$0x3F99] =	sst lr;
	_ =	strace $0xD0000000  }
0x3: {  	_ = 	snop  }
0x4: {  	_ = 	snop  }
0x5: {  	_ = 	snop  }
0x6: {  	_ = 	snop  }
0x7: {  	_ = 	snop  }
__scs_overlays_trampoline_lowered:
0x8: {  	[smem:$0x3FA8] =	sst s0  }
0x9: {  	[smem:$0x3FA9] =	sst s1  }
0xa: {  	[smem:$0x3FAA] =	sst s2  }
0xb: {  	[smem:$0x3FAB] =	sst s3  }
0xc: {  	[smem:$0x3FAC] =	sst s4  }
0xd: {  	[smem:$0x3FAD] =	sst s5  }
0xe: {  	[smem:$0x3FAE] =	sst s6  }
0xf: {  	[smem:$0x3FAF] =	sst s7  }
0x10: {  	[smem:$0x3FB0] =	sst s8  }
0x11: {  	[smem:$0x3FB1] =	sst s9;
	s0 =	simm.s32 @!p0 $0x0  }
0x12: {  	s1 =	sld [smem:$0x3F97];
	s0 =	simm.s32 @p0 $0x1  }
0x13: {  	[smem:$0x3FB2] =	sst s0;
	s0 =	simm.s32 @!p1 $0x0  }
0x14: {  	s2 =	sld [smem:$0x3F96];
	s0 =	simm.s32 @p1 $0x1  }
0x15: {  	[smem:$0x3FB3] =	sst s0;
	s0 =	simm.s32 @!p2 $0x0  }
0x16: {  	s3 =	sld [smem:$0x3FDB];
	s0 =	simm.s32 @p2 $0x1  }
0x17: {  	s4 =	simm.s32 $0x1BF5;
	[smem:$0x3FB5] =	sst s0  }
0x18: {  	s0 =	sld [smem:$0x3F98];
	_ =	swait.ge [sflag:s4], $0x0  }
0x19: {  	s7 =	sld [smem:$0x3F99]  }
0x1a: {  	s8 =	sadd.s32 $0xFFFFE003, lr  }
0x1b: {  	s9 =	sadd.s32 $0xFFFFFEF7, lr;
	s5 =	simm.s32 $0xFFFFFFFF;
	p2 =	slt.u32 s8, $0xFFFFF086  }
0x1c: {  	p1 =	slt.u32 s9, $0xF7A;
	s5 =	simm.s32 @!p2 $0x0  }
0x1d: {  	s5 =	simm.s32 @p1 $0x1;
	p0 =	seq.s32 s7, s2  }
0x1e: {  	s7 =	smul.u32 @!p0 $0xF7A, s2;
	p2 =	seq.s32 @!p0 s5, $0x0  }
0x1f: {  	s9 =	smul.u32 $0xF7A, s1;
	s8 =	simm.s32 @!p0 $0x1BF5;
	p2 =	por !p2, p0  }
0x20: {  	[sflag:s8] =	ssyncset.s32 @!p0 $0xFFFFF086;
	s6 =	sadd.s32 @!p0 s3, s7;
	s7 =	simm.s32 @!p0 $0x108  }
0x21: {  	s3 =	sadd.s32 s3, s9;
	s6 =	sadd.s32 @!p0 $0x88, s6;
	s7 =	simm.s32 @p2 $0x1082  }
0x22: {  	[simem:s7], [sflag:s8] =	dma.local @!p0 [hbm:s6], $0xF7A  }
0x23: {  	s9 =	sor.u32 $0xD0000000, s2;
	s6 =	simm.s32 $0x108;
	_ =	swait.ge @!p0 [sflag:s8], $0x0  }
0x24: {  	s3 =	sadd.s32 $0x88, s3;
	s6 =	simm.s32 @!p1 $0x1082;
	[sflag:s4] =	ssyncset.s32 $0xFFFFF086  }
0x25: {  	[simem:s6], [sflag:s4] =	dma.local [hbm:s3], $0xF7A  }
0x26: {  	[smem:$0x3F99] =	sst s1;
	(tag) =	ssettag s2;
	_ =	strace s9  }
0x27: {  	s1 =	sld [smem:$0x3FA9]  }
0x28: {  	s2 =	sld [smem:$0x3FAA]  }
0x29: {  	s4 =	sld [smem:$0x3FAC]  }
0x2a: {  	p0 =	seq.s32 s5, $0x0;
	s5 =	sld [smem:$0x3FAD]  }
0x2b: {  	s6 =	sld [smem:$0x3FAE]  }
0x2c: {  	s7 =	sld [smem:$0x3FAF]  }
0x2d: {  	s3 =	simm.s32 $0x108;
	s8 =	sld [smem:$0x3FB0]  }
0x2e: {  	s3 =	simm.s32 @!p0 $0x1082;
	s9 =	sld [smem:$0x3FB1]  }
0x2f: {  	lr =	sadd.s32 s0, s3;
	s0 =	sld [smem:$0x3FA8]  }
0x30: {  	s3 =	sld [smem:$0x3FAB]  }
0x31: {  	[smem:$0x3FB4] =	sst s10  }
0x32: {  	s10 =	sld [smem:$0x3FB2];
	_ =	sdelay $0x3  }
0x33: {  	p0 =	seq.s32 s10, $0x1;
	s10 =	sld [smem:$0x3FB4];
	_ =	sdelay $0x3  }
0x34: {  	[smem:$0x3FB4] =	sst s10  }
0x35: {  	s10 =	sld [smem:$0x3FB3];
	_ =	sdelay $0x3  }
0x36: {  	p1 =	seq.s32 s10, $0x1;
	s10 =	sld [smem:$0x3FB4];
	_ =	sdelay $0x3  }
0x37: {  	[smem:$0x3FB4] =	sst s10  }
0x38: {  	s10 =	sld [smem:$0x3FB5]  }
0x39: {  	_ = 	snop;
	(pc) =	sbr.ind lr, $3  }
0x3a: {  	_ = 	snop  }
0x3b: {  	_ = 	snop  }
0x3c: {  	p2 =	seq.s32 s10, $0x1;
	s10 =	sld [smem:$0x3FB4]  }
0x3d: {  	_ =	shalt  }
0x3e: {  	_ =	shalt  }
0x3f: {  	_ =	shalt  }
0x40: {  	_ =	shalt  }
0x41: {  	_ =	shalt  }
0x42: {  	_ =	shalt  }
0x43: {  	_ =	shalt  }
0x44: {  	_ =	shalt  }
0x45: {  	_ =	shalt  }
0x46: {  	_ =	shalt  }
0x47: {  	_ =	shalt  }
0x48: {  	_ =	shalt  }
0x49: {  	_ =	shalt  }
0x4a: {  	_ =	shalt  }
0x4b: {  	_ =	shalt  }
0x4c: {  	_ =	shalt  }
0x4d: {  	_ =	shalt  }
0x4e: {  	_ =	shalt  }
0x4f: {  	_ =	shalt  }
0x50: {  	_ =	shalt  }
0x51: {  	_ =	shalt  }
0x52: {  	_ =	shalt  }
0x53: {  	_ =	shalt  }
0x54: {  	_ =	shalt  }
0x55: {  	_ =	shalt  }
0x56: {  	_ =	shalt  }
0x57: {  	_ =	shalt  }
0x58: {  	_ =	shalt  }
0x59: {  	_ =	shalt  }
0x5a: {  	_ =	shalt  }
0x5b: {  	_ =	shalt  }
0x5c: {  	_ =	shalt  }
0x5d: {  	_ =	shalt  }
0x5e: {  	_ =	shalt  }
0x5f: {  	_ =	shalt  }
0x60: {  	_ =	shalt  }
0x61: {  	_ =	shalt  }
0x62: {  	_ =	shalt  }
0x63: {  	_ =	shalt  }
0x64: {  	_ =	shalt  }
0x65: {  	_ =	shalt  }
0x66: {  	_ =	shalt  }
0x67: {  	_ =	shalt  }
0x68: {  	_ =	shalt  }
0x69: {  	_ =	shalt  }
0x6a: {  	_ =	shalt  }
0x6b: {  	_ =	shalt  }
0x6c: {  	_ =	shalt  }
0x6d: {  	_ =	shalt  }
0x6e: {  	_ =	shalt  }
0x6f: {  	_ =	shalt  }
0x70: {  	_ =	shalt  }
0x71: {  	_ =	shalt  }
0x72: {  	_ =	shalt  }
0x73: {  	_ =	shalt  }
0x74: {  	_ =	shalt  }
0x75: {  	_ =	shalt  }
0x76: {  	_ =	shalt  }
0x77: {  	_ =	shalt  }
0x78: {  	_ =	shalt  }
0x79: {  	_ =	shalt  }
0x7a: {  	_ =	shalt  }
0x7b: {  	_ =	shalt  }
0x7c: {  	_ =	shalt  }
0x7d: {  	_ =	shalt  }
0x7e: {  	_ =	shalt  }
0x7f: {  	_ =	shalt  }
0x80: {  	_ =	shalt  }
0x81: {  	_ =	shalt  }
0x82: {  	_ =	shalt  }
0x83: {  	_ =	shalt  }
0x84: {  	_ =	shalt  }
0x85: {  	_ =	shalt  }
0x86: {  	_ =	shalt  }
0x87: {  	_ =	shalt  }
.Lfunc_end0:
.L_simem_size_0:
called_computation_lowered:
.L_overlay_start_0:
0x88: {  	s2 =	sld [smem:$0x3FD9]  }
0x89: {  	s3 =	sld [smem:$0x3FFE];
	_ =	sdelay $0x1  }
0x8a: {  	s1 =	srdreg.scid  }
0x8b: {  	s0 =	sand.u32 $0x1, s1  }
0x8c: {  	s17 =	sshll.u32 s0, $0xA;
	s2 =	sadd.s32 s3, s2  }
0x8d: {  	s2 =	sadd.s32 s2, s17  }
0x8e: {  	[smem:$0x3FC0] =	sst s2  }
0x8f: {  	_ = 	snop  }
0x90: {  	s2 =	sld [smem:$0x3FC9]  }
0x91: {  	s18 =	sld [smem:$0x3FC8];
	(tm) =	ssettm $0x1  }
0x92: {  	s4 =	sld [smem:$0x3FFB];
	_ =	sdelay $0x3  }
0x93: {  	_ =	strace s4  }
0x94: {  	s4 =	sld [smem:$0x3FFC];
	_ =	sdelay $0x3  }
0x95: {  	_ =	strace s4  }
0x96: {  	s4 =	sld [smem:$0x3FFD];
	_ =	sdelay $0x3  }
0x97: {  	_ =	strace s4  }
0x98: {  	_ =	strace $0x8FFFFFFF  }
0x99: {  	s19 =	sld [smem:$0x3FDB];
	_ =	sdelay $0x1  }
0x9a: {  	s5 =	simm.s32 $_scs_section_size  }
0x9b: {  	s6 =	simm.s32 $_size__tile_overlayer_lowered;
	s7 =	simm.s32 $_tile_overlayer_lowered  }
0x9c: {  	s22 =	simm.s32 $0x1BFF;
	s21 =	sshll.u32 s7, $0x1;
	s4 =	sadd.s32 s5, s19  }
0x9d: {  	s8 =	simm.s32 $0x0;
	s20 =	sshll.u32 s6, $0x1;
	s6 =	sadd.s32 s21, s4  }
0x9e: {  	[timem:s8], [sflag:s22] =	dma.local [hbm:s6], s20  }
0x9f: {  	_ =	swait.ge [sflag:s22], s20  }
0xa0: {  	s5 =	ssub.s32 $0x0, s20;
	[sflag:s22] =	ssyncset.done $0x0  }
0xa1: {  	[sflag:s22] =	ssyncadd.s32 s5;
	_ =	sdelay $0x1  }
0xa2: {  	s23 =	simm.s32 $0x1B8B  }
0xa3: {  	_ =	swait.ge [sflag:s23], $0x1  }
0xa4: {  	[sflag:s23] =	ssyncset.done $0x0  }
0xa5: {  	s25 =	simm.s32 $0x1B8E;
	s24 =	sld [smem:$0x3FFE];
	[sflag:s23] =	ssyncadd.s32 $0xFFFFFFFF  }
0xa6: {  	s26 =	simm.s32 $execute0_lowered;
	[smem:$0x3FD2] =	sst s25  }
0xa7: {  	s6 =	sshll.u32 s26, $0x1;
	_ =	strace $0x80000046;
	[dreg:$0x1] =	wrdreg $0xFFFFFFFF  }
0xa8: {  	s28 =	simm.s32 $_size_execute0_lowered;
	s4 =	sadd.s32 s4, s6;
	[dreg:$0x0] =	wrdreg $0x0  }
0xa9: {  	s6 =	sshll.u32 s28, $0x1;
	[dreg:$0x2] =	wrdreg s4  }
0xaa: {  	[dreg:$0x3] =	wrdreg s6  }
0xab: {  	[dreg:$0x4] =	wrdreg $0xC0  }
0xac: {  	_ =	task [dreg:s8], $0x5FFFF  }
0xad: {  	[dreg:$0x1] =	wrdreg $0xFFFFFFFF  }
0xae: {  	[dreg:$0x0] =	wrdreg $0x60  }
0xaf: {  	[dreg:$0x2] =	wrdreg s2  }
0xb0: {  	[dreg:$0x3] =	wrdreg s18  }
0xb1: {  	[dreg:$0x4] =	wrdreg s24  }
0xb2: {  	[dreg:$0x5] =	wrdreg $0x9  }
0xb3: {  	_ =	task.clear_ibuf [dreg:s8], $0x6FFFF;
	_ =	strace $0x90000046  }
0xb4: {  	s29 =	simm.s32 $0x9;
	_ =	strace $0x80000048  }
0xb5: {  	_ =	swait.ge [sflag:s29], $0x1  }
0xb6: {  	[sflag:s29] =	ssyncadd.s32 $0xFFFFFFFF  }
0xb7: {  	_ =	strace $0x90000048  }
0xb8: {  	_ =	sfence  }
0xb9: {  	s30 =	sld [smem:$0x0];
	_ =	sdelay $0x2  }
0xba: {  	s31 =	sshll.u32 s1, $0xD;
	s1 =	sshrl.u32 s1, $0x2  }
0xbb: {  	s3 =	sand.u32 $0x4000, s31;
	s1 =	sadd.s32 s1, s30  }
0xbc: {  	s0 =	sor.u32 s3, s0;
	s1 =	sshll.u32 s1, $0x11  }
0xbd: {  	s0 =	sor.u32 s1, s0  }
0xbe: {  	s0 =	sadd.s32 $0x8F2B, s0  }
0xbf: {  	[sflag:s0] =	ssyncadd.remote.s32 $0x1  }
0xc0: {  	_ =	sfence.sel $0xFFFF  }
0xc1: {  	[dreg:$0x0] =	wrdreg $0xFFFFFFFF;
	(pc) =	sbr.abs _section_cstart, $3  }
0xc2: {  	[dreg:$0x1] =	wrdreg $0xFFFFFFFF  }
0xc3: {  	_ =	task.clear_ibuf [dreg:s8], $0x2FFFF;
	_ =	strace $0x9FFFFFFF  }
0xc4: {  	(tm) =	ssettm $0x7FFFFFFF  }
0xc5: {  	_ =	shalt  }
tec
execute0_lowered:
.L_overlay_start_1:
0x0: {  	(tag) =	ssettag $0x1  }
0x1: {  	s5 =	rddreg [dreg:$0x0]  }
0x2: {  	s6 =	rddreg [dreg:$0x1]  }
0x3: {  	s7 =	rddreg [dreg:$0x2];
	s2 =	simm.s32 $0x0  }
0x4: {  	s3 =	srdreg.scid;
	s0 =	stileid.u32;
	s12 =	simm.s32 $0x1  }
0x5: {  	s14 =	simm.s32 $0x0;
	[smem:$0x7FF] =	sst s2;
	s8 =	sand.u32 $0x1, s3  }
0x6: {  	s3 =	sadd.s32 $0x1200, s7;
	s9 =	sshll.u32 s0, $0xA;
	s10 =	sshll.u32 s8, $0x9  }
0x7: {  	s4 =	sadd.s32 $0xF43600, s7;
	s8 =	ssub.s32 $0x2, s8;
	s9 =	sor.u32 s10, s9  }
0x8: {  	_ =	strace $0x80000047;
	s11 =	sshrl.u32 s8, $0x1;
	s10 =	sshll.u32 s9, $0x4  }
0x9: {  	s9 =	sshrl.u32 s9, $0x3;
	s11 =	ssub.s32 s8, s11;
	s10 =	sadd.s32 s10, s7  }
0xa: {  	s5 =	sadd.s32 s5, s9;
	s6 =	sadd.s32 s6, s9;
	s9 =	smax.u32 s11, $0x1  }
0xb: {  	s7 =	sadd.s32 $0x1E85A00, s10;
	s8 =	sadd.s32 $0x1EC5A00, s10;
	s10 =	simm.s32 $0x2  }
.LBB2_1:
0xc: {  	[tilespmem:s2], [sflag:$0x2] =	stream.linear.gather [hbm4b:s5+s2], $0x200, $0x38;
	[tilespmem:$0x10400] =	vst v63  }
0xd: {  	_ =	swait.ge [sflag:s10], $0x200  }
0xe: {  	[sflag:s10] =	ssyncset.done $0x0  }
0xf: {  	s0 =	simm.s32 $0x200;
	[sflag:s10] =	ssyncadd.s32 $0xFFFFFE00  }
0x10: {  	[tilespmem:s0], [sflag:$0x2] =	stream.linear.gather [hbm4b:s6+s2], $0x200, $0x38;
	[tilespmem:$0x10400] =	vst v63  }
0x11: {  	_ =	swait.ge [sflag:s10], $0x200  }
0x12: {  	[sflag:s10] =	ssyncset.done $0x0  }
0x13: {  	[sflag:s10] =	ssyncadd.s32 $0xFFFFFE00  }
0x14: {  	v0 =	vld [tilespmem:s2+$0x0];
	_ =	sdelay $0x4  }
0x15: {  	v0 =	vshll.u32 v0, $0x4  }
0x16: {  	(v2sf) =	vpush v0, $0x0  }
0x17: {  	(v2sf) =	vpush v0, $0x1  }
0x18: {  	(v2sf) =	vpush v0, $0x2;
	_ =	sdelay $0x1  }
0x19: {  	(v2sf) =	vpush v0, $0x4;
	_ =	sdelay $0x1  }
0x1a: {  	(v2sf) =	vpush v0, $0x3  }
0x1b: {  	(v2sf) =	vpush v0, $0x5  }
0x1c: {  	s16 =	simm.s32 $0x2000;
	s15 =	simm.s32 $0x0;
	s17 =	simm.s32 $0x0;
	(v2sf) =	vpush v0, $0x6  }
.LBB2_2:
0x1d: {  	p0 =	sne.s32 s16, $0x3E000  }
0x1e: {  	s28 =	sadd.s32 $0x480, s15;
	s21 =	sadd.s32 $0x980, s15;
	s18 =	smov.u32 s16  }
0x1f: {  	s16 =	sadd.s32 $0x2000, s16;
	s24 =	sadd.s32 $0x780, s15;
	s19 =	sadd.s32 $0xA00, s15;
	(v2sf) =	vpush v0, $0x7  }
0x20: {  	s26 =	sadd.s32 $0x680, s15;
	s23 =	sadd.s32 $0x800, s15;
	s20 =	sadd.s32 $0xA80, s15  }
0x21: {  	s29 =	sadd.s32 $0x400, s15;
	s30 =	sadd.s32 $0x600, s15;
	(v2sf) =	vpush v0, $0x8  }
0x22: {  	s31 =	sadd.s32 $0x700, s15;
	s17 =	sadd.s32 $0x10, s17  }
0x23: {  	s0 =	sadd.s32 $0x500, s15;
	s22 =	sadd.s32 $0x900, s15;
	s25 =	spop (v2sf);
	(v2sf) =	vpush v0, $0x9  }
0x24: {  	s1 =	sand.u32 $0x1FFFFFF0, s25;
	s25 =	sadd.s32 $0x880, s15;
	s11 =	spop (v2sf)  }
0x25: {  	s1 =	sadd.s32 s3, s1;
	s11 =	sand.u32 $0x1FFFFFF0, s11;
	s13 =	spop (v2sf);
	(v2sf) =	vpush v0, $0xA  }
0x26: {  	[tilespmem:s29], [sflag:$0x1] =	stream.linear.gather [hbm4b:s1+s2], $0x80, $0x38;
	[tilespmem:$0x10400] =	vst v63  }
0x27: {  	s1 =	sadd.s32 s3, s11;
	s11 =	sadd.s32 $0x580, s15;
	s29 =	spop (v2sf);
	(v2sf) =	vpush v0, $0xB  }
0x28: {  	[tilespmem:s28], [sflag:$0x1] =	stream.linear.gather [hbm4b:s1+s2], $0x80, $0x38;
	[tilespmem:$0x10400] =	vst v63  }
0x29: {  	s1 =	sand.u32 $0x1FFFFFF0, s13;
	s13 =	sand.u32 $0x1FFFFFF0, s29;
	s28 =	spop (v2sf);
	(v2sf) =	vpush v0, $0xC  }
0x2a: {  	s1 =	sadd.s32 s3, s1;
	s28 =	sand.u32 $0x1FFFFFF0, s28;
	s29 =	spop (v2sf)  }
0x2b: {  	[tilespmem:s0], [sflag:$0x1] =	stream.linear.gather [hbm4b:s1+s2], $0x80, $0x38;
	(v2sf) =	vpush v0, $0xD;
	[tilespmem:$0x10400] =	vst v63  }
0x2c: {  	s0 =	sadd.s32 s3, s28;
	s1 =	sand.u32 $0x1FFFFFF0, s29;
	s28 =	spop (v2sf)  }
0x2d: {  	[tilespmem:s11], [sflag:$0x1] =	stream.linear.gather [hbm4b:s0+s2], $0x80, $0x38;
	(v2sf) =	vpush v0, $0xE;
	[tilespmem:$0x10400] =	vst v63  }
0x2e: {  	s0 =	sadd.s32 s3, s13;
	s11 =	sand.u32 $0x1FFFFFF0, s28;
	s13 =	spop (v2sf)  }
0x2f: {  	[tilespmem:s30], [sflag:$0x1] =	stream.linear.gather [hbm4b:s0+s2], $0x80, $0x38;
	(v2sf) =	vpush v0, $0xF;
	[tilespmem:$0x10400] =	vst v63  }
0x30: {  	s0 =	sadd.s32 s3, s1;
	s1 =	sand.u32 $0x1FFFFFF0, s13;
	s13 =	spop (v2sf)  }
0x31: {  	[tilespmem:s26], [sflag:$0x1] =	stream.linear.gather [hbm4b:s0+s2], $0x80, $0x38;
	[tilespmem:$0x10400] =	vst v63  }
0x32: {  	s0 =	sadd.s32 s3, s11;
	s11 =	sand.u32 $0x1FFFFFF0, s13;
	s13 =	spop (v2sf)  }
0x33: {  	[tilespmem:s31], [sflag:$0x1] =	stream.linear.gather [hbm4b:s0+s2], $0x80, $0x38;
	[tilespmem:$0x10400] =	vst v63  }
0x34: {  	s0 =	sadd.s32 s3, s1;
	s1 =	sand.u32 $0x1FFFFFF0, s13;
	s13 =	spop (v2sf)  }
0x35: {  	[tilespmem:s24], [sflag:$0x1] =	stream.linear.gather [hbm4b:s0+s2], $0x80, $0x38;
	[tilespmem:$0x10400] =	vst v63  }
0x36: {  	s0 =	sadd.s32 s3, s11;
	s11 =	sand.u32 $0x1FFFFFF0, s13;
	s13 =	spop (v2sf)  }
0x37: {  	[tilespmem:s23], [sflag:$0x1] =	stream.linear.gather [hbm4b:s0+s2], $0x80, $0x38;
	[tilespmem:$0x10400] =	vst v63  }
0x38: {  	s0 =	sadd.s32 s3, s1;
	s1 =	sand.u32 $0x1FFFFFF0, s13;
	s13 =	spop (v2sf)  }
0x39: {  	[tilespmem:s25], [sflag:$0x1] =	stream.linear.gather [hbm4b:s0+s2], $0x80, $0x38;
	[tilespmem:$0x10400] =	vst v63  }
0x3a: {  	s0 =	sadd.s32 s3, s11;
	s11 =	sand.u32 $0x1FFFFFF0, s13;
	s13 =	spop (v2sf)  }
0x3b: {  	[tilespmem:s22], [sflag:$0x1] =	stream.linear.gather [hbm4b:s0+s2], $0x80, $0x38;
	[tilespmem:$0x10400] =	vst v63  }
0x3c: {  	s0 =	sadd.s32 s3, s1;
	s1 =	sand.u32 $0x1FFFFFF0, s13;
	s13 =	spop (v2sf)  }
0x3d: {  	[tilespmem:s21], [sflag:$0x1] =	stream.linear.gather [hbm4b:s0+s2], $0x80, $0x38;
	[tilespmem:$0x10400] =	vst v63  }
0x3e: {  	s0 =	sadd.s32 s3, s11;
	s11 =	sand.u32 $0x1FFFFFF0, s13;
	s13 =	spop (v2sf)  }
0x3f: {  	[tilespmem:s19], [sflag:$0x1] =	stream.linear.gather [hbm4b:s0+s2], $0x80, $0x38;
	[tilespmem:$0x10400] =	vst v63  }
0x40: {  	s0 =	sadd.s32 s3, s1;
	s1 =	sand.u32 $0x1FFFFFF0, s13  }
0x41: {  	[tilespmem:s20], [sflag:$0x1] =	stream.linear.gather [hbm4b:s0+s2], $0x80, $0x38;
	[tilespmem:$0x10400] =	vst v63  }
0x42: {  	s11 =	sadd.s32 s3, s11;
	s0 =	sadd.s32 $0xB00, s15  }
0x43: {  	[tilespmem:s0], [sflag:$0x1] =	stream.linear.gather [hbm4b:s11+s2], $0x80, $0x38;
	[tilespmem:$0x10400] =	vst v63  }
0x44: {  	s1 =	sadd.s32 s3, s1;
	s0 =	sadd.s32 $0xB80, s15  }
0x45: {  	[tilespmem:s0], [sflag:$0x1] =	stream.linear.gather [hbm4b:s1+s2], $0x80, $0x38;
	[tilespmem:$0x10400] =	vst v63  }
0x46: {  	v0 =	vld [tilespmem:s17+$0x0];
	_ =	sdelay $0x4  }
0x47: {  	v0 =	vshll.u32 v0, $0x4  }
0x48: {  	(v2sf) =	vpush v0, $0x0  }
0x49: {  	(v2sf) =	vpush v0, $0x1  }
0x4a: {  	(v2sf) =	vpush v0, $0x2;
	_ =	sdelay $0x1  }
0x4b: {  	(v2sf) =	vpush v0, $0x4  }
.Ltmp0:
0x4c: {  	(pc) =	sbr.rel @p0 .LBB2_2-.Ltmp0, $3  }
0x4d: {  	(v2sf) =	vpush v0, $0x3  }
0x4e: {  	(v2sf) =	vpush v0, $0x5;
	_ =	sdelay $0x1  }
0x4f: {  	s15 =	sshra.s32 s18, $0x2;
	(v2sf) =	vpush v0, $0x6  }
0x50: {  	_ =	sdelay $0x1  }
0x51: {  	s0 =	sadd.s32 $0x480, s15;
	s18 =	sadd.s32 $0x980, s15  }
0x52: {  	s1 =	sadd.s32 $0x780, s15;
	s16 =	sadd.s32 $0xA00, s15;
	(v2sf) =	vpush v0, $0x7;
	s11 =	sadd.s32 $0x680, s15  }
0x53: {  	s13 =	sadd.s32 $0x800, s15;
	s17 =	sadd.s32 $0xA80, s15;
	s19 =	sadd.s32 $0x400, s15  }
0x54: {  	s20 =	sadd.s32 $0x600, s15;
	s21 =	sadd.s32 $0x700, s15;
	(v2sf) =	vpush v0, $0x8;
	s22 =	spop (v2sf)  }
0x55: {  	s23 =	sadd.s32 $0x500, s15;
	s22 =	sand.u32 $0x1FFFFFF0, s22;
	s24 =	spop (v2sf)  }
0x56: {  	(v2sf) =	vpush v0, $0x9;
	s22 =	sadd.s32 s3, s22;
	s24 =	sand.u32 $0x1FFFFFF0, s24;
	s25 =	spop (v2sf)  }
0x57: {  	[tilespmem:s19], [sflag:$0x1] =	stream.linear.gather [hbm4b:s22+s2], $0x80, $0x38;
	[tilespmem:$0x10400] =	vst v63  }
0x58: {  	(v2sf) =	vpush v0, $0xA;
	s26 =	sadd.s32 s3, s24;
	s29 =	sand.u32 $0x1FFFFFF0, s25;
	s28 =	spop (v2sf)  }
0x59: {  	[tilespmem:s0], [sflag:$0x1] =	stream.linear.gather [hbm4b:s26+s2], $0x80, $0x38;
	[tilespmem:$0x10400] =	vst v63  }
0x5a: {  	s19 =	sadd.s32 $0x900, s15;
	(v2sf) =	vpush v0, $0xB;
	s22 =	sadd.s32 s3, s29;
	s30 =	spop (v2sf)  }
0x5b: {  	s0 =	sadd.s32 $0x880, s15;
	s26 =	sadd.s32 $0x580, s15;
	s25 =	sand.u32 $0x1FFFFFF0, s30  }
0x5c: {  	(v2sf) =	vpush v0, $0xC;
	[tilespmem:s23], [sflag:$0x1] =	stream.linear.gather [hbm4b:s22+s2], $0x80, $0x38;
	[tilespmem:$0x10400] =	vst v63  }
0x5d: {  	s31 =	sand.u32 $0x1FFFFFF0, s28;
	s28 =	spop (v2sf);
	s29 =	sadd.s32 s3, s25  }
0x5e: {  	(v2sf) =	vpush v0, $0xD;
	[tilespmem:s26], [sflag:$0x1] =	stream.linear.gather [hbm4b:s29+s2], $0x80, $0x38;
	[tilespmem:$0x10400] =	vst v63  }
0x5f: {  	s22 =	sadd.s32 s3, s31;
	s23 =	sand.u32 $0x1FFFFFF0, s28;
	s30 =	spop (v2sf)  }
0x60: {  	(v2sf) =	vpush v0, $0xE;
	[tilespmem:s20], [sflag:$0x1] =	stream.linear.gather [hbm4b:s22+s2], $0x80, $0x38;
	[tilespmem:$0x10400] =	vst v63  }
0x61: {  	s23 =	sadd.s32 s3, s23;
	s31 =	sand.u32 $0x1FFFFFF0, s30;
	s24 =	spop (v2sf)  }
0x62: {  	(v2sf) =	vpush v0, $0xF;
	[tilespmem:s11], [sflag:$0x1] =	stream.linear.gather [hbm4b:s23+s2], $0x80, $0x38;
	[tilespmem:$0x10400] =	vst v63  }
0x63: {  	s25 =	sand.u32 $0x1FFFFFF0, s24;
	s26 =	spop (v2sf);
	s20 =	sadd.s32 s3, s31  }
0x64: {  	[tilespmem:s21], [sflag:$0x1] =	stream.linear.gather [hbm4b:s20+s2], $0x80, $0x38;
	[tilespmem:$0x10400] =	vst v63  }
0x65: {  	s28 =	sand.u32 $0x1FFFFFF0, s26;
	s11 =	sadd.s32 s3, s25;
	s29 =	spop (v2sf)  }
0x66: {  	[tilespmem:s1], [sflag:$0x1] =	stream.linear.gather [hbm4b:s11+s2], $0x80, $0x38;
	[tilespmem:$0x10400] =	vst v63  }
0x67: {  	s20 =	sadd.s32 s3, s28;
	s30 =	sand.u32 $0x1FFFFFF0, s29;
	s31 =	spop (v2sf)  }
0x68: {  	[tilespmem:s13], [sflag:$0x1] =	stream.linear.gather [hbm4b:s20+s2], $0x80, $0x38;
	[tilespmem:$0x10400] =	vst v63  }
0x69: {  	s11 =	sand.u32 $0x1FFFFFF0, s31;
	s1 =	sadd.s32 s3, s30;
	s20 =	spop (v2sf)  }
0x6a: {  	[tilespmem:s0], [sflag:$0x1] =	stream.linear.gather [hbm4b:s1+s2], $0x80, $0x38;
	[tilespmem:$0x10400] =	vst v63  }
0x6b: {  	s11 =	sadd.s32 s3, s11;
	s21 =	sand.u32 $0x1FFFFFF0, s20;
	s22 =	spop (v2sf)  }
0x6c: {  	[tilespmem:s19], [sflag:$0x1] =	stream.linear.gather [hbm4b:s11+s2], $0x80, $0x38;
	[tilespmem:$0x10400] =	vst v63  }
0x6d: {  	s0 =	sadd.s32 s3, s21;
	s1 =	sand.u32 $0x1FFFFFF0, s22;
	s23 =	spop (v2sf)  }
0x6e: {  	[tilespmem:s18], [sflag:$0x1] =	stream.linear.gather [hbm4b:s0+s2], $0x80, $0x38;
	[tilespmem:$0x10400] =	vst v63  }
0x6f: {  	s24 =	sand.u32 $0x1FFFFFF0, s23;
	s1 =	sadd.s32 s3, s1;
	s25 =	spop (v2sf)  }
0x70: {  	[tilespmem:s16], [sflag:$0x1] =	stream.linear.gather [hbm4b:s1+s2], $0x80, $0x38;
	[tilespmem:$0x10400] =	vst v63  }
0x71: {  	s26 =	sand.u32 $0x1FFFFFF0, s25;
	s28 =	spop (v2sf);
	s0 =	sadd.s32 s3, s24  }
0x72: {  	[tilespmem:s17], [sflag:$0x1] =	stream.linear.gather [hbm4b:s0+s2], $0x80, $0x38;
	[tilespmem:$0x10400] =	vst v63  }
0x73: {  	s30 =	sadd.s32 $0xB00, s15;
	s29 =	sand.u32 $0x1FFFFFF0, s28;
	s1 =	sadd.s32 s3, s26  }
0x74: {  	[tilespmem:s30], [sflag:$0x1] =	stream.linear.gather [hbm4b:s1+s2], $0x80, $0x38;
	[tilespmem:$0x10400] =	vst v63  }
0x75: {  	s31 =	sadd.s32 $0xB80, s15;
	s0 =	sadd.s32 s3, s29  }
0x76: {  	[tilespmem:s31], [sflag:$0x1] =	stream.linear.gather [hbm4b:s0+s2], $0x80, $0x38;
	[tilespmem:$0x10400] =	vst v63  }
0x77: {  	_ =	swait.ge [sflag:s12], $0x80  }
0x78: {  	s15 =	simm.s32 $0x1FF;
	[sflag:s12] =	ssyncset.done $0x0  }
.LBB2_4:
0x79: {  	p0 =	sne.s32 s15, $0x1;
	s15 =	sadd.s32 $0xFFFFFFFF, s15;
	[sflag:s12] =	ssyncadd.s32 $0xFFFFFF80  }
.Ltmp1:
0x7a: {  	(pc) =	sbr.rel @p0 .LBB2_4-.Ltmp1, $3  }
0x7b: {  	_ =	sdelay $0x1  }
0x7c: {  	_ =	swait.ge [sflag:s12], $0x80  }
0x7d: {  	[sflag:s12] =	ssyncset.done $0x0  }
0x7e: {  	[sflag:s12] =	ssyncadd.s32 $0xFFFFFF80;
	s0 =	simm.s32 $0x0;
	s1 =	simm.s32 $0x400  }
0x7f: {  	[hbm4b:s7+s0] =	stream.linear.scatter [tilespmem:s1], [sflag:$0x2], $0x10000, $0x38;
	[tilespmem:$0x10400] =	vst v63  }
0x80: {  	_ =	swait.ge [sflag:s10], $0x10000  }
0x81: {  	[sflag:s10] =	ssyncset.done $0x0  }
0x82: {  	s16 =	simm.s32 $0x200;
	[sflag:s10] =	ssyncadd.s32 $0xFFFF0000  }
0x83: {  	v0 =	vld [tilespmem:s16+$0x0];
	_ =	sdelay $0x4  }
0x84: {  	v0 =	vshll.u32 v0, $0x4  }
0x85: {  	(v2sf) =	vpush v0, $0x0  }
0x86: {  	(v2sf) =	vpush v0, $0x1  }
0x87: {  	(v2sf) =	vpush v0, $0x2;
	_ =	sdelay $0x1  }
0x88: {  	(v2sf) =	vpush v0, $0x4;
	_ =	sdelay $0x1  }
0x89: {  	(v2sf) =	vpush v0, $0x3  }
0x8a: {  	(v2sf) =	vpush v0, $0x5  }
0x8b: {  	s17 =	simm.s32 $0x2000;
	s15 =	simm.s32 $0x0;
	(v2sf) =	vpush v0, $0x6  }
.LBB2_6:
0x8c: {  	p0 =	sne.s32 s17, $0x3E000  }
0x8d: {  	s0 =	sadd.s32 $0x480, s15;
	s21 =	sadd.s32 $0x980, s15;
	s18 =	smov.u32 s17  }
0x8e: {  	s17 =	sadd.s32 $0x2000, s17;
	s24 =	sadd.s32 $0x780, s15;
	s19 =	sadd.s32 $0xA00, s15;
	(v2sf) =	vpush v0, $0x7  }
0x8f: {  	s26 =	sadd.s32 $0x680, s15;
	s23 =	sadd.s32 $0x800, s15;
	s20 =	sadd.s32 $0xA80, s15  }
0x90: {  	s1 =	sadd.s32 $0x400, s15;
	s11 =	sadd.s32 $0x600, s15;
	(v2sf) =	vpush v0, $0x8  }
0x91: {  	s13 =	sadd.s32 $0x700, s15;
	s16 =	sadd.s32 $0x10, s16  }
0x92: {  	s28 =	sadd.s32 $0x500, s15;
	s22 =	sadd.s32 $0x900, s15;
	s25 =	spop (v2sf);
	(v2sf) =	vpush v0, $0x9  }
0x93: {  	s29 =	sand.u32 $0x1FFFFFF0, s25;
	s25 =	sadd.s32 $0x880, s15;
	s30 =	spop (v2sf)  }
0x94: {  	s29 =	sadd.s32 s4, s29;
	s30 =	sand.u32 $0x1FFFFFF0, s30;
	s31 =	spop (v2sf);
	(v2sf) =	vpush v0, $0xA  }
0x95: {  	[tilespmem:s1], [sflag:$0x1] =	stream.linear.gather [hbm4b:s29+s2], $0x80, $0x38;
	[tilespmem:$0x10400] =	vst v63  }
0x96: {  	s1 =	sadd.s32 s4, s30;
	s29 =	sadd.s32 $0x580, s15;
	s30 =	spop (v2sf);
	(v2sf) =	vpush v0, $0xB  }
0x97: {  	[tilespmem:s0], [sflag:$0x1] =	stream.linear.gather [hbm4b:s1+s2], $0x80, $0x38;
	[tilespmem:$0x10400] =	vst v63  }
0x98: {  	s0 =	sand.u32 $0x1FFFFFF0, s31;
	s1 =	sand.u32 $0x1FFFFFF0, s30;
	s30 =	spop (v2sf);
	(v2sf) =	vpush v0, $0xC  }
0x99: {  	s0 =	sadd.s32 s4, s0;
	s30 =	sand.u32 $0x1FFFFFF0, s30;
	s31 =	spop (v2sf)  }
0x9a: {  	[tilespmem:s28], [sflag:$0x1] =	stream.linear.gather [hbm4b:s0+s2], $0x80, $0x38;
	(v2sf) =	vpush v0, $0xD;
	[tilespmem:$0x10400] =	vst v63  }
0x9b: {  	s0 =	sadd.s32 s4, s30;
	s28 =	sand.u32 $0x1FFFFFF0, s31;
	s30 =	spop (v2sf)  }
0x9c: {  	[tilespmem:s29], [sflag:$0x1] =	stream.linear.gather [hbm4b:s0+s2], $0x80, $0x38;
	(v2sf) =	vpush v0, $0xE;
	[tilespmem:$0x10400] =	vst v63  }
0x9d: {  	s0 =	sadd.s32 s4, s1;
	s1 =	sand.u32 $0x1FFFFFF0, s30;
	s29 =	spop (v2sf)  }
0x9e: {  	[tilespmem:s11], [sflag:$0x1] =	stream.linear.gather [hbm4b:s0+s2], $0x80, $0x38;
	(v2sf) =	vpush v0, $0xF;
	[tilespmem:$0x10400] =	vst v63  }
0x9f: {  	s0 =	sadd.s32 s4, s28;
	s11 =	sand.u32 $0x1FFFFFF0, s29;
	s28 =	spop (v2sf)  }
0xa0: {  	[tilespmem:s26], [sflag:$0x1] =	stream.linear.gather [hbm4b:s0+s2], $0x80, $0x38;
	[tilespmem:$0x10400] =	vst v63  }
0xa1: {  	s0 =	sadd.s32 s4, s1;
	s1 =	sand.u32 $0x1FFFFFF0, s28;
	s26 =	spop (v2sf)  }
0xa2: {  	[tilespmem:s13], [sflag:$0x1] =	stream.linear.gather [hbm4b:s0+s2], $0x80, $0x38;
	[tilespmem:$0x10400] =	vst v63  }
0xa3: {  	s0 =	sadd.s32 s4, s11;
	s11 =	sand.u32 $0x1FFFFFF0, s26;
	s13 =	spop (v2sf)  }
0xa4: {  	[tilespmem:s24], [sflag:$0x1] =	stream.linear.gather [hbm4b:s0+s2], $0x80, $0x38;
	[tilespmem:$0x10400] =	vst v63  }
0xa5: {  	s0 =	sadd.s32 s4, s1;
	s1 =	sand.u32 $0x1FFFFFF0, s13;
	s13 =	spop (v2sf)  }
0xa6: {  	[tilespmem:s23], [sflag:$0x1] =	stream.linear.gather [hbm4b:s0+s2], $0x80, $0x38;
	[tilespmem:$0x10400] =	vst v63  }
0xa7: {  	s0 =	sadd.s32 s4, s11;
	s11 =	sand.u32 $0x1FFFFFF0, s13;
	s13 =	spop (v2sf)  }
0xa8: {  	[tilespmem:s25], [sflag:$0x1] =	stream.linear.gather [hbm4b:s0+s2], $0x80, $0x38;
	[tilespmem:$0x10400] =	vst v63  }
0xa9: {  	s0 =	sadd.s32 s4, s1;
	s1 =	sand.u32 $0x1FFFFFF0, s13;
	s13 =	spop (v2sf)  }
0xaa: {  	[tilespmem:s22], [sflag:$0x1] =	stream.linear.gather [hbm4b:s0+s2], $0x80, $0x38;
	[tilespmem:$0x10400] =	vst v63  }
0xab: {  	s0 =	sadd.s32 s4, s11;
	s11 =	sand.u32 $0x1FFFFFF0, s13;
	s13 =	spop (v2sf)  }
0xac: {  	[tilespmem:s21], [sflag:$0x1] =	stream.linear.gather [hbm4b:s0+s2], $0x80, $0x38;
	[tilespmem:$0x10400] =	vst v63  }
0xad: {  	s0 =	sadd.s32 s4, s1;
	s1 =	sand.u32 $0x1FFFFFF0, s13;
	s13 =	spop (v2sf)  }
0xae: {  	[tilespmem:s19], [sflag:$0x1] =	stream.linear.gather [hbm4b:s0+s2], $0x80, $0x38;
	[tilespmem:$0x10400] =	vst v63  }
0xaf: {  	s0 =	sadd.s32 s4, s11;
	s11 =	sand.u32 $0x1FFFFFF0, s13  }
0xb0: {  	[tilespmem:s20], [sflag:$0x1] =	stream.linear.gather [hbm4b:s0+s2], $0x80, $0x38;
	[tilespmem:$0x10400] =	vst v63  }
0xb1: {  	s1 =	sadd.s32 s4, s1;
	s0 =	sadd.s32 $0xB00, s15  }
0xb2: {  	[tilespmem:s0], [sflag:$0x1] =	stream.linear.gather [hbm4b:s1+s2], $0x80, $0x38;
	[tilespmem:$0x10400] =	vst v63  }
0xb3: {  	s0 =	sadd.s32 $0xB80, s15;
	s1 =	sadd.s32 s4, s11  }
0xb4: {  	[tilespmem:s0], [sflag:$0x1] =	stream.linear.gather [hbm4b:s1+s2], $0x80, $0x38;
	[tilespmem:$0x10400] =	vst v63  }
0xb5: {  	v0 =	vld [tilespmem:s16+$0x0];
	_ =	sdelay $0x4  }
0xb6: {  	v0 =	vshll.u32 v0, $0x4  }
0xb7: {  	(v2sf) =	vpush v0, $0x0  }
0xb8: {  	(v2sf) =	vpush v0, $0x1  }
0xb9: {  	(v2sf) =	vpush v0, $0x2;
	_ =	sdelay $0x1  }
0xba: {  	(v2sf) =	vpush v0, $0x4  }
.Ltmp2:
0xbb: {  	(pc) =	sbr.rel @p0 .LBB2_6-.Ltmp2, $3  }
0xbc: {  	(v2sf) =	vpush v0, $0x3  }
0xbd: {  	(v2sf) =	vpush v0, $0x5;
	_ =	sdelay $0x1  }
0xbe: {  	s15 =	sshra.s32 s18, $0x2;
	(v2sf) =	vpush v0, $0x6  }
0xbf: {  	_ =	sdelay $0x1  }
0xc0: {  	s0 =	sadd.s32 $0x480, s15;
	s18 =	sadd.s32 $0x980, s15  }
0xc1: {  	s1 =	sadd.s32 $0x780, s15;
	s16 =	sadd.s32 $0xA00, s15;
	(v2sf) =	vpush v0, $0x7;
	s11 =	sadd.s32 $0x680, s15  }
0xc2: {  	s13 =	sadd.s32 $0x800, s15;
	s17 =	sadd.s32 $0xA80, s15;
	s19 =	sadd.s32 $0x400, s15  }
0xc3: {  	s20 =	sadd.s32 $0x600, s15;
	s21 =	sadd.s32 $0x700, s15;
	(v2sf) =	vpush v0, $0x8;
	s22 =	spop (v2sf)  }
0xc4: {  	s23 =	sadd.s32 $0x500, s15;
	s22 =	sand.u32 $0x1FFFFFF0, s22;
	s24 =	spop (v2sf)  }
0xc5: {  	(v2sf) =	vpush v0, $0x9;
	s22 =	sadd.s32 s4, s22;
	s24 =	sand.u32 $0x1FFFFFF0, s24;
	s25 =	spop (v2sf)  }
0xc6: {  	[tilespmem:s19], [sflag:$0x1] =	stream.linear.gather [hbm4b:s22+s2], $0x80, $0x38;
	[tilespmem:$0x10400] =	vst v63  }
0xc7: {  	(v2sf) =	vpush v0, $0xA;
	s26 =	sadd.s32 s4, s24;
	s29 =	sand.u32 $0x1FFFFFF0, s25;
	s28 =	spop (v2sf)  }
0xc8: {  	[tilespmem:s0], [sflag:$0x1] =	stream.linear.gather [hbm4b:s26+s2], $0x80, $0x38;
	[tilespmem:$0x10400] =	vst v63  }
0xc9: {  	s19 =	sadd.s32 $0x900, s15;
	(v2sf) =	vpush v0, $0xB;
	s22 =	sadd.s32 s4, s29;
	s30 =	spop (v2sf)  }
0xca: {  	s0 =	sadd.s32 $0x880, s15;
	s26 =	sadd.s32 $0x580, s15;
	s25 =	sand.u32 $0x1FFFFFF0, s30  }
0xcb: {  	(v2sf) =	vpush v0, $0xC;
	[tilespmem:s23], [sflag:$0x1] =	stream.linear.gather [hbm4b:s22+s2], $0x80, $0x38;
	[tilespmem:$0x10400] =	vst v63  }
0xcc: {  	s31 =	sand.u32 $0x1FFFFFF0, s28;
	s28 =	spop (v2sf);
	s29 =	sadd.s32 s4, s25  }
0xcd: {  	(v2sf) =	vpush v0, $0xD;
	[tilespmem:s26], [sflag:$0x1] =	stream.linear.gather [hbm4b:s29+s2], $0x80, $0x38;
	[tilespmem:$0x10400] =	vst v63  }
0xce: {  	s22 =	sadd.s32 s4, s31;
	s23 =	sand.u32 $0x1FFFFFF0, s28;
	s30 =	spop (v2sf)  }
0xcf: {  	(v2sf) =	vpush v0, $0xE;
	[tilespmem:s20], [sflag:$0x1] =	stream.linear.gather [hbm4b:s22+s2], $0x80, $0x38;
	[tilespmem:$0x10400] =	vst v63  }
0xd0: {  	s23 =	sadd.s32 s4, s23;
	s31 =	sand.u32 $0x1FFFFFF0, s30;
	s24 =	spop (v2sf)  }
0xd1: {  	(v2sf) =	vpush v0, $0xF;
	[tilespmem:s11], [sflag:$0x1] =	stream.linear.gather [hbm4b:s23+s2], $0x80, $0x38;
	[tilespmem:$0x10400] =	vst v63  }
0xd2: {  	s25 =	sand.u32 $0x1FFFFFF0, s24;
	s26 =	spop (v2sf);
	s20 =	sadd.s32 s4, s31  }
0xd3: {  	[tilespmem:s21], [sflag:$0x1] =	stream.linear.gather [hbm4b:s20+s2], $0x80, $0x38;
	[tilespmem:$0x10400] =	vst v63  }
0xd4: {  	s28 =	sand.u32 $0x1FFFFFF0, s26;
	s11 =	sadd.s32 s4, s25;
	s29 =	spop (v2sf)  }
0xd5: {  	[tilespmem:s1], [sflag:$0x1] =	stream.linear.gather [hbm4b:s11+s2], $0x80, $0x38;
	[tilespmem:$0x10400] =	vst v63  }
0xd6: {  	s20 =	sadd.s32 s4, s28;
	s30 =	sand.u32 $0x1FFFFFF0, s29;
	s31 =	spop (v2sf)  }
0xd7: {  	[tilespmem:s13], [sflag:$0x1] =	stream.linear.gather [hbm4b:s20+s2], $0x80, $0x38;
	[tilespmem:$0x10400] =	vst v63  }
0xd8: {  	s11 =	sand.u32 $0x1FFFFFF0, s31;
	s1 =	sadd.s32 s4, s30;
	s20 =	spop (v2sf)  }
0xd9: {  	[tilespmem:s0], [sflag:$0x1] =	stream.linear.gather [hbm4b:s1+s2], $0x80, $0x38;
	[tilespmem:$0x10400] =	vst v63  }
0xda: {  	s11 =	sadd.s32 s4, s11;
	s21 =	sand.u32 $0x1FFFFFF0, s20;
	s22 =	spop (v2sf)  }
0xdb: {  	[tilespmem:s19], [sflag:$0x1] =	stream.linear.gather [hbm4b:s11+s2], $0x80, $0x38;
	[tilespmem:$0x10400] =	vst v63  }
0xdc: {  	s0 =	sadd.s32 s4, s21;
	s1 =	sand.u32 $0x1FFFFFF0, s22;
	s23 =	spop (v2sf)  }
0xdd: {  	[tilespmem:s18], [sflag:$0x1] =	stream.linear.gather [hbm4b:s0+s2], $0x80, $0x38;
	[tilespmem:$0x10400] =	vst v63  }
0xde: {  	s24 =	sand.u32 $0x1FFFFFF0, s23;
	s1 =	sadd.s32 s4, s1;
	s25 =	spop (v2sf)  }
0xdf: {  	[tilespmem:s16], [sflag:$0x1] =	stream.linear.gather [hbm4b:s1+s2], $0x80, $0x38;
	[tilespmem:$0x10400] =	vst v63  }
0xe0: {  	s26 =	sand.u32 $0x1FFFFFF0, s25;
	s28 =	spop (v2sf);
	s0 =	sadd.s32 s4, s24  }
0xe1: {  	[tilespmem:s17], [sflag:$0x1] =	stream.linear.gather [hbm4b:s0+s2], $0x80, $0x38;
	[tilespmem:$0x10400] =	vst v63  }
0xe2: {  	s30 =	sadd.s32 $0xB00, s15;
	s29 =	sand.u32 $0x1FFFFFF0, s28;
	s1 =	sadd.s32 s4, s26  }
0xe3: {  	[tilespmem:s30], [sflag:$0x1] =	stream.linear.gather [hbm4b:s1+s2], $0x80, $0x38;
	[tilespmem:$0x10400] =	vst v63  }
0xe4: {  	s31 =	sadd.s32 $0xB80, s15;
	s0 =	sadd.s32 s4, s29  }
0xe5: {  	[tilespmem:s31], [sflag:$0x1] =	stream.linear.gather [hbm4b:s0+s2], $0x80, $0x38;
	[tilespmem:$0x10400] =	vst v63  }
0xe6: {  	_ =	swait.ge [sflag:s12], $0x80  }
0xe7: {  	s15 =	simm.s32 $0x1FF;
	[sflag:s12] =	ssyncset.done $0x0  }
.LBB2_8:
0xe8: {  	p0 =	sne.s32 s15, $0x1;
	s15 =	sadd.s32 $0xFFFFFFFF, s15;
	[sflag:s12] =	ssyncadd.s32 $0xFFFFFF80  }
.Ltmp3:
0xe9: {  	(pc) =	sbr.rel @p0 .LBB2_8-.Ltmp3, $3  }
0xea: {  	_ =	sdelay $0x1  }
0xeb: {  	_ =	swait.ge [sflag:s12], $0x80  }
0xec: {  	[sflag:s12] =	ssyncset.done $0x0  }
0xed: {  	s14 =	sadd.s32 $0x1, s14  }
0xee: {  	p0 =	sne.s32 s14, s9  }
.Ltmp4:
0xef: {  	[sflag:s12] =	ssyncadd.s32 $0xFFFFFF80;
	s0 =	simm.s32 $0x400;
	(pc) =	sbr.rel @p0 .LBB2_1-.Ltmp4, $4  }
0xf0: {  	[hbm4b:s8+s2] =	stream.linear.scatter [tilespmem:s0], [sflag:$0x2], $0x10000, $0x38;
	[tilespmem:$0x10400] =	vst v63  }
0xf1: {  	_ =	swait.ge [sflag:s10], $0x10000  }
0xf2: {  	[sflag:s10] =	ssyncset.done $0x0  }
0xf3: {  	[sflag:s10] =	ssyncadd.s32 $0xFFFF0000  }
0xf4: {  	_ =	sfence.sel $0x180000  }
0xf5: {  	[bflag:$0x0] =	sbarrier.arrive $0xFFFF  }
0xf6: {  	_ =	strace $0x90000047  }
0xf7: {  	s0 =	stileid.u32;
	[bflag:$0x2] =	sbarrier.arrive $0xFFFF  }
0xf8: {  	p0 =	sne.s32 s0, $0x0;
	s0 =	rddreg [dreg:$0x3]  }
0xf9: {  	s0 =	sadd.s32 @!p0 $0x100000, s0  }
0xfa: {  	[sflag:s0] =	ssyncadd.tile.s32 @!p0 $0x1;
	_ =	shalt  }
.Lfunc_end2:
_tile_overlayer_lowered:
.L_overlay_start_2:
0xfb: {  	(tag) =	ssettag $0x2  }
0xfc: {  	s0 =	rddreg [dreg:$0x0];
	s2 =	stileid.u32  }
0xfd: {  	s1 =	rddreg [dreg:$0x1];
	p0 =	sne.s32 s2, $0x0  }
0xfe: {  	s3 =	rddreg [dreg:$0x2];
	[bflag:$0x3] =	sbarrier.arrive $0xFFFF;
	s2 =	simm.s32 @!p0 $0x1C02  }
0xff: {  	[timem:s3], [sflag:s2] =	dma.local @!p0 [hbm:s0], s1  }
0x100: {  	s0 =	simm.s32 @!p0 $0x2  }
0x101: {  	_ =	swait.ge @!p0 [sflag:s0], s1  }
0x102: {  	s1 =	ssub.s32 @!p0 $0x0, s1;
	[sflag:s0] =	ssyncset.done @!p0 $0x0  }
0x103: {  	[sflag:s0] =	ssyncadd.s32 @!p0 s1  }
0x104: {  	[bflag:$0x3] =	sbarrier.arrive $0xFFFF  }
0x105: {  	_ =	shalt  }

</sc_bundles>
